<compile_context>
chip_gen: v7x
topology: tpu7x:2x2x1
jax: 0.10.2.dev20260603
libtpu: 0.0.44.dev20260713+nightly
codegen_flags: <defaults>
</compile_context>

<pallas_src>
import functools

import jax
import jax.numpy as jnp
from jax import lax
from jax.experimental import pallas as pl
from jax.experimental.pallas import tpu as pltpu
from jax.experimental.pallas import tpu_sc as plsc

EMBED_DIM = 512
NIMG = 256
NPOS = 1025
NC = 2
NS = 16
NW = NC * NS
PPW = 33
CHUNK = 64
CPP = NIMG // CHUNK
NCHUNK = PPW * CPP
NBUF = 3

_mesh = plsc.VectorSubcoreMesh(
    core_axis_name="c", subcore_axis_name="s", num_cores=NC, num_subcores=NS
)


@functools.partial(
    pl.kernel,
    out_type=jax.ShapeDtypeStruct((NPOS, NIMG, EMBED_DIM), jnp.float32),
    mesh=_mesh,
    scratch_types=[
        pltpu.VMEM((PPW, CPP, CHUNK), jnp.int32),
        pltpu.VMEM((NBUF, CHUNK, EMBED_DIM), jnp.float32),
        pltpu.SemaphoreType.DMA,
        pltpu.SemaphoreType.DMA,
        pltpu.SemaphoreType.DMA,
        pltpu.SemaphoreType.DMA,
        pltpu.SemaphoreType.DMA,
        pltpu.SemaphoreType.DMA,
    ],
)
def _sc_gather(idx_hbm, table_hbm, out_hbm,
               idx_v, rows_v,
               g0, g1, g2, o0, o1, o2):
    wid = lax.axis_index("s") * NC + lax.axis_index("c")
    gsem = (g0, g1, g2)
    osem = (o0, o1, o2)

    pltpu.sync_copy(idx_hbm.at[wid], idx_v)

    def pos(k):
        return (k // CPP) * NW + wid

    def valid(k):
        return pos(k) < NPOS

    def gather_start(k, b):
        pltpu.make_async_copy(
            table_hbm.at[idx_v.at[k // CPP, k % CPP]], rows_v.at[b], gsem[b]
        ).start()

    def gather_wait(b):
        pltpu.make_async_copy(
            table_hbm.at[pl.ds(0, CHUNK)], rows_v.at[b], gsem[b]
        ).wait()

    def out_start(k, b):
        p = pos(k)
        b0 = (k % CPP) * CHUNK
        pltpu.make_async_copy(
            rows_v.at[b], out_hbm.at[p, pl.ds(b0, CHUNK)], osem[b]
        ).start()

    def out_wait(b):
        pltpu.make_async_copy(
            table_hbm.at[pl.ds(0, CHUNK)], rows_v.at[b], osem[b]
        ).wait()

    for b in range(NBUF):
        gather_start(b, b)

    def body(kk, carry):
        k0 = kk * NBUF
        for b in range(NBUF):

            @pl.when(valid(k0 + b))
            def _():
                gather_wait(b)
                out_start(k0 + b, b)

        for b in range(NBUF):
            k2 = k0 + b + NBUF

            @pl.when(jnp.logical_and(k2 < NCHUNK, valid(k2)))
            def _():
                out_wait(b)
                gather_start(k2, b)

        return carry

    lax.fori_loop(0, NCHUNK // NBUF, body, 0)
    for b in range(NBUF):
        out_wait(b)


def kernel(idx, table):
    idx_t = idx.astype(jnp.int32).T
    idx_t = jnp.pad(idx_t, ((0, NW * PPW - NPOS), (0, 0)))
    idx_r = idx_t.reshape(PPW, NW, NIMG).transpose(1, 0, 2)
    idx_r = idx_r.reshape(NW, PPW, CPP, CHUNK)
    out_t = _sc_gather(idx_r, table)
    return jnp.transpose(out_t, (1, 0, 2))

# --- scband reference (transcript-rebuilt; emitter-appended) ---
"""Pipeline reference for scband-position-embeddings-11106785427691 (READ-ONLY COPY).

The authoritative reference and input builder live on the scoring server;
editing this copy changes nothing except your own understanding.
"""

import jax, jax.numpy as jnp
import numpy as np

EMBED_DIM = 512
NUM_PATCHES = 1024

def setup_inputs(seed: int = 0) -> dict:
    key = jax.random.key(seed)
    k_idx, k_tab = jax.random.split(key)
    idx = jax.random.randint(k_idx, (256, 1025), 0, 1025, dtype=jnp.int64 if jax.config.read('jax_enable_x64') else jnp.int32)
    table = jax.random.normal(k_tab, (NUM_PATCHES + 1, EMBED_DIM), dtype=jnp.float32)
    return {"idx": idx, "table": table}

def reference(idx, table):
    # nn.Embedding lookup: gather rows of the positional encoding table
    pos = jnp.take(table, idx, axis=0)
    return pos

if __name__ == "__main__":
    import jax
    _d = setup_inputs()
    print(jax.jit(kernel)(*tuple(_d.values())))

</pallas_src>

<mosaic_0001>
#map = affine_map<(d0, d1) -> (0, 0, 0, 0)>
#map1 = affine_map<(d0, d1) -> (0, 0)>
#map2 = affine_map<(d0, d1) -> (0, 0, 0)>
module attributes {stable_mosaic.version = 14 : i64} {
  func.func @_sc_gather(%arg0: i32, %arg1: i32, %arg2: memref<32x33x4x64xi32, #tpu.memory_space<hbm>>, %arg3: memref<1025x512xf32, #tpu.memory_space<hbm>>, %arg4: memref<1025x256x512xf32, #tpu.memory_space<hbm>>, %arg5: memref<33x4x64xi32, #tpu.memory_space<vmem>>, %arg6: memref<3x64x512xf32, #tpu.memory_space<vmem>>, %arg7: memref<!tpu.dma_semaphore, #tpu.memory_space<semaphore_mem>>, %arg8: memref<!tpu.dma_semaphore, #tpu.memory_space<semaphore_mem>>, %arg9: memref<!tpu.dma_semaphore, #tpu.memory_space<semaphore_mem>>, %arg10: memref<!tpu.dma_semaphore, #tpu.memory_space<semaphore_mem>>, %arg11: memref<!tpu.dma_semaphore, #tpu.memory_space<semaphore_mem>>, %arg12: memref<!tpu.dma_semaphore, #tpu.memory_space<semaphore_mem>>) attributes {dimension_semantics = [#tpu.dimension_semantics<core_parallel>, #tpu.dimension_semantics<subcore_parallel>], iteration_bounds = array<i64: 2, 16>, scalar_prefetch = 0 : i64, scratch_operands = 8 : i64, tpu.core_type = #tpu.core_type<sc_vector_subcore>, window_params = [{transform_indices = #map}, {transform_indices = #map1}, {transform_indices = #map2}]} {
    %mul3A = arith.constant 2 : i32
    %mul3A_0 = arith.muli %arg1, %mul3A : i32
    %add3A = arith.addi %mul3A_0, %arg0 : i32
    "tpu.region"() ({
      %run_scoped3A = tpu.sem_alloc : memref<!tpu.dma_semaphore, #tpu.memory_space<semaphore_mem>>
      %dma_start3A_88 = arith.constant 0 : i32
      %dma_start3A_89 = arith.constant 0 : i32
      %dma_start3A_90 = arith.constant 0 : i32
      %dma_start3A_91 = tpu.memref_slice %arg2[%add3A, %dma_start3A_88, %dma_start3A_89, %dma_start3A_90] : memref<32x33x4x64xi32, #tpu.memory_space<hbm>> -> memref<1x33x4x64xi32, #tpu.memory_space<hbm>>
      %dma_start3A_92 = tpu.memref_squeeze %dma_start3A_91 : memref<1x33x4x64xi32, #tpu.memory_space<hbm>> -> memref<33x4x64xi32, #tpu.memory_space<hbm>>
      %dma_start3A_93 = arith.constant 0 : i32
      %dma_start3A_94 = arith.constant 0 : i32
      %dma_start3A_95 = arith.constant 0 : i32
      %dma_start3A_96 = tpu.memref_slice %arg2[%add3A, %dma_start3A_93, %dma_start3A_94, %dma_start3A_95] : memref<32x33x4x64xi32, #tpu.memory_space<hbm>> -> memref<1x33x4x64xi32, #tpu.memory_space<hbm>>
      %dma_start3A_97 = tpu.memref_squeeze %dma_start3A_96 : memref<1x33x4x64xi32, #tpu.memory_space<hbm>> -> memref<33x4x64xi32, #tpu.memory_space<hbm>>
      tpu.enqueue_dma source(%dma_start3A_97 : memref<33x4x64xi32, #tpu.memory_space<hbm>>) target(%arg5 : memref<33x4x64xi32, #tpu.memory_space<vmem>>) target_semaphore(%run_scoped3A : memref<!tpu.dma_semaphore, #tpu.memory_space<semaphore_mem>>)
      %dma_wait3A_98 = arith.constant 0 : i32
      %dma_wait3A_99 = arith.constant 0 : i32
      %dma_wait3A_100 = arith.constant 0 : i32
      %dma_wait3A_101 = tpu.memref_slice %arg2[%add3A, %dma_wait3A_98, %dma_wait3A_99, %dma_wait3A_100] : memref<32x33x4x64xi32, #tpu.memory_space<hbm>> -> memref<1x33x4x64xi32, #tpu.memory_space<hbm>>
      %dma_wait3A_102 = tpu.memref_squeeze %dma_wait3A_101 : memref<1x33x4x64xi32, #tpu.memory_space<hbm>> -> memref<33x4x64xi32, #tpu.memory_space<hbm>>
      %dma_wait3A_103 = arith.constant 0 : i32
      %dma_wait3A_104 = arith.constant 0 : i32
      %dma_wait3A_105 = arith.constant 0 : i32
      %dma_wait3A_106 = tpu.memref_slice %arg2[%add3A, %dma_wait3A_103, %dma_wait3A_104, %dma_wait3A_105] : memref<32x33x4x64xi32, #tpu.memory_space<hbm>> -> memref<1x33x4x64xi32, #tpu.memory_space<hbm>>
      %dma_wait3A_107 = tpu.memref_squeeze %dma_wait3A_106 : memref<1x33x4x64xi32, #tpu.memory_space<hbm>> -> memref<33x4x64xi32, #tpu.memory_space<hbm>>
      tpu.wait_dma2 semaphore(%run_scoped3A : memref<!tpu.dma_semaphore, #tpu.memory_space<semaphore_mem>>) src(%dma_wait3A_107 : memref<33x4x64xi32, #tpu.memory_space<hbm>>) dst(%arg5 : memref<33x4x64xi32, #tpu.memory_space<vmem>>)
      tpu.yield
    }) : () -> ()
    %dma_start3A = arith.constant 0 : i32
    %dma_start3A_1 = arith.constant 0 : i32
    %dma_start3A_2 = arith.constant 0 : i32
    %dma_start3A_3 = arith.constant 0 : i32
    %dma_start3A_4 = arith.constant 0 : i32
    %dma_start3A_5 = tpu.memref_slice %arg6[%dma_start3A_2, %dma_start3A_3, %dma_start3A_4] : memref<3x64x512xf32, #tpu.memory_space<vmem>> -> memref<1x64x512xf32, #tpu.memory_space<vmem>>
    %dma_start3A_6 = tpu.memref_squeeze %dma_start3A_5 : memref<1x64x512xf32, #tpu.memory_space<vmem>> -> memref<64x512xf32, #tpu.memory_space<vmem>>
    %dma_start3A_7 = arith.constant 0 : i32
    %dma_start3A_8 = tpu.memref_slice %arg5[%dma_start3A, %dma_start3A_1, %dma_start3A_7] : memref<33x4x64xi32, #tpu.memory_space<vmem>> -> memref<1x1x64xi32, #tpu.memory_space<vmem>>
    %dma_start3A_9 = tpu.memref_squeeze %dma_start3A_8 : memref<1x1x64xi32, #tpu.memory_space<vmem>> -> memref<64xi32, #tpu.memory_space<vmem>>
    %dma_start3A_10 = arith.constant 0 : i32
    %dma_start3A_11 = arith.constant 0 : i32
    %dma_start3A_12 = tpu.memref_slice %arg3[%dma_start3A_10, %dma_start3A_11] : memref<1025x512xf32, #tpu.memory_space<hbm>> -> memref<1025x512xf32, #tpu.memory_space<hbm>>
    tpu.enqueue_indirect_dma source(%dma_start3A_12 : memref<1025x512xf32, #tpu.memory_space<hbm>>) target(%dma_start3A_6 : memref<64x512xf32, #tpu.memory_space<vmem>>) offsets(%dma_start3A_9 : memref<64xi32, #tpu.memory_space<vmem>>) semaphore(%arg7 : memref<!tpu.dma_semaphore, #tpu.memory_space<semaphore_mem>>)
    %dma_start3A_13 = arith.constant 0 : i32
    %dma_start3A_14 = arith.constant 1 : i32
    %dma_start3A_15 = arith.constant 1 : i32
    %dma_start3A_16 = arith.constant 0 : i32
    %dma_start3A_17 = arith.constant 0 : i32
    %dma_start3A_18 = tpu.memref_slice %arg6[%dma_start3A_15, %dma_start3A_16, %dma_start3A_17] : memref<3x64x512xf32, #tpu.memory_space<vmem>> -> memref<1x64x512xf32, #tpu.memory_space<vmem>>
    %dma_start3A_19 = tpu.memref_squeeze %dma_start3A_18 : memref<1x64x512xf32, #tpu.memory_space<vmem>> -> memref<64x512xf32, #tpu.memory_space<vmem>>
    %dma_start3A_20 = arith.constant 0 : i32
    %dma_start3A_21 = tpu.memref_slice %arg5[%dma_start3A_13, %dma_start3A_14, %dma_start3A_20] : memref<33x4x64xi32, #tpu.memory_space<vmem>> -> memref<1x1x64xi32, #tpu.memory_space<vmem>>
    %dma_start3A_22 = tpu.memref_squeeze %dma_start3A_21 : memref<1x1x64xi32, #tpu.memory_space<vmem>> -> memref<64xi32, #tpu.memory_space<vmem>>
    %dma_start3A_23 = arith.constant 0 : i32
    %dma_start3A_24 = arith.constant 0 : i32
    %dma_start3A_25 = tpu.memref_slice %arg3[%dma_start3A_23, %dma_start3A_24] : memref<1025x512xf32, #tpu.memory_space<hbm>> -> memref<1025x512xf32, #tpu.memory_space<hbm>>
    tpu.enqueue_indirect_dma source(%dma_start3A_25 : memref<1025x512xf32, #tpu.memory_space<hbm>>) target(%dma_start3A_19 : memref<64x512xf32, #tpu.memory_space<vmem>>) offsets(%dma_start3A_22 : memref<64xi32, #tpu.memory_space<vmem>>) semaphore(%arg8 : memref<!tpu.dma_semaphore, #tpu.memory_space<semaphore_mem>>)
    %dma_start3A_26 = arith.constant 0 : i32
    %dma_start3A_27 = arith.constant 2 : i32
    %dma_start3A_28 = arith.constant 2 : i32
    %dma_start3A_29 = arith.constant 0 : i32
    %dma_start3A_30 = arith.constant 0 : i32
    %dma_start3A_31 = tpu.memref_slice %arg6[%dma_start3A_28, %dma_start3A_29, %dma_start3A_30] : memref<3x64x512xf32, #tpu.memory_space<vmem>> -> memref<1x64x512xf32, #tpu.memory_space<vmem>>
    %dma_start3A_32 = tpu.memref_squeeze %dma_start3A_31 : memref<1x64x512xf32, #tpu.memory_space<vmem>> -> memref<64x512xf32, #tpu.memory_space<vmem>>
    %dma_start3A_33 = arith.constant 0 : i32
    %dma_start3A_34 = tpu.memref_slice %arg5[%dma_start3A_26, %dma_start3A_27, %dma_start3A_33] : memref<33x4x64xi32, #tpu.memory_space<vmem>> -> memref<1x1x64xi32, #tpu.memory_space<vmem>>
    %dma_start3A_35 = tpu.memref_squeeze %dma_start3A_34 : memref<1x1x64xi32, #tpu.memory_space<vmem>> -> memref<64xi32, #tpu.memory_space<vmem>>
    %dma_start3A_36 = arith.constant 0 : i32
    %dma_start3A_37 = arith.constant 0 : i32
    %dma_start3A_38 = tpu.memref_slice %arg3[%dma_start3A_36, %dma_start3A_37] : memref<1025x512xf32, #tpu.memory_space<hbm>> -> memref<1025x512xf32, #tpu.memory_space<hbm>>
    tpu.enqueue_indirect_dma source(%dma_start3A_38 : memref<1025x512xf32, #tpu.memory_space<hbm>>) target(%dma_start3A_32 : memref<64x512xf32, #tpu.memory_space<vmem>>) offsets(%dma_start3A_35 : memref<64xi32, #tpu.memory_space<vmem>>) semaphore(%arg9 : memref<!tpu.dma_semaphore, #tpu.memory_space<semaphore_mem>>)
    %scan3A = arith.constant 0 : i32
    %scan3A_39 = arith.constant 0 : i32
    %scan3A_40 = arith.constant 44 : i32
    %scan3A_41 = arith.addi %scan3A_39, %scan3A_40 : i32
    %scan3A_42 = arith.constant 1 : i32
    scf.for %scan3A_88 = %scan3A_39 to %scan3A_41 step %scan3A_42  : i32 {
      %mul3A_89 = arith.constant 3 : i32
      %mul3A_90 = arith.muli %scan3A_88, %mul3A_89 : i32
      %add3A_91 = arith.constant 0 : i32
      %add3A_92 = arith.addi %mul3A_90, %add3A_91 : i32
      %jit3A = arith.constant 4 : i32
      %div3A = arith.divsi %add3A_92, %jit3A : i32
      %sign3A = arith.constant 0 : i32
      %sign3A_93 = arith.cmpi sgt, %add3A_92, %sign3A : i32
      %sign3A_94 = arith.extui %sign3A_93 : i1 to i32
      %sign3A_95 = arith.constant 0 : i32
      %sign3A_96 = arith.cmpi slt, %add3A_92, %sign3A_95 : i32
      %sign3A_97 = arith.extui %sign3A_96 : i1 to i32
      %sign3A_98 = arith.subi %sign3A_94, %sign3A_97 : i32
      %sign3A_99 = arith.constant 0 : i32
      %sign3A_100 = arith.cmpi sgt, %jit3A, %sign3A_99 : i32
      %sign3A_101 = arith.extui %sign3A_100 : i1 to i32
      %sign3A_102 = arith.constant 0 : i32
      %sign3A_103 = arith.cmpi slt, %jit3A, %sign3A_102 : i32
      %sign3A_104 = arith.extui %sign3A_103 : i1 to i32
      %sign3A_105 = arith.subi %sign3A_101, %sign3A_104 : i32
      %ne3A = arith.cmpi ne, %sign3A_98, %sign3A_105 : i32
      %rem3A = arith.remsi %add3A_92, %jit3A : i32
      %ne3A_106 = arith.constant 0 : i32
      %ne3A_107 = arith.cmpi ne, %rem3A, %ne3A_106 : i32
      %and3A = arith.andi %ne3A, %ne3A_107 : i1
      %sub3A = arith.constant 1 : i32
      %sub3A_108 = arith.subi %div3A, %sub3A : i32
      %select_n3A = arith.select %and3A, %sub3A_108, %div3A : i32
      %mul3A_109 = arith.constant 32 : i32
      %mul3A_110 = arith.muli %select_n3A, %mul3A_109 : i32
      %add3A_111 = arith.addi %mul3A_110, %add3A : i32
      %lt3A = arith.constant 1025 : i32
      %lt3A_112 = arith.cmpi slt, %add3A_111, %lt3A : i32
      %convert_element_type3A = arith.extui %lt3A_112 : i1 to i32
      %cond3A = arith.constant 0 : i32
      %cond3A_113 = arith.cmpi ne, %convert_element_type3A, %cond3A : i32
      scf.if %cond3A_113 {
        %dma_wait3A_299 = arith.constant 0 : i32
        %dma_wait3A_300 = arith.constant 0 : i32
        %dma_wait3A_301 = arith.constant 0 : i32
        %dma_wait3A_302 = tpu.memref_slice %arg6[%dma_wait3A_299, %dma_wait3A_300, %dma_wait3A_301] : memref<3x64x512xf32, #tpu.memory_space<vmem>> -> memref<1x64x512xf32, #tpu.memory_space<vmem>>
        %dma_wait3A_303 = tpu.memref_squeeze %dma_wait3A_302 : memref<1x64x512xf32, #tpu.memory_space<vmem>> -> memref<64x512xf32, #tpu.memory_space<vmem>>
        %dma_wait3A_304 = arith.constant 0 : i32
        %dma_wait3A_305 = arith.constant 0 : i32
        %dma_wait3A_306 = tpu.memref_slice %arg3[%dma_wait3A_304, %dma_wait3A_305] : memref<1025x512xf32, #tpu.memory_space<hbm>> -> memref<64x512xf32, #tpu.memory_space<hbm>>
        %dma_wait3A_307 = arith.constant 0 : i32
        %dma_wait3A_308 = arith.constant 0 : i32
        %dma_wait3A_309 = tpu.memref_slice %arg6[%dma_wait3A_299, %dma_wait3A_307, %dma_wait3A_308] : memref<3x64x512xf32, #tpu.memory_space<vmem>> -> memref<1x64x512xf32, #tpu.memory_space<vmem>>
        %dma_wait3A_310 = tpu.memref_squeeze %dma_wait3A_309 : memref<1x64x512xf32, #tpu.memory_space<vmem>> -> memref<64x512xf32, #tpu.memory_space<vmem>>
        %dma_wait3A_311 = arith.constant 0 : i32
        %dma_wait3A_312 = arith.constant 0 : i32
        %dma_wait3A_313 = tpu.memref_slice %arg3[%dma_wait3A_311, %dma_wait3A_312] : memref<1025x512xf32, #tpu.memory_space<hbm>> -> memref<64x512xf32, #tpu.memory_space<hbm>>
        tpu.wait_dma2 semaphore(%arg7 : memref<!tpu.dma_semaphore, #tpu.memory_space<semaphore_mem>>) src(%dma_wait3A_313 : memref<64x512xf32, #tpu.memory_space<hbm>>) dst(%dma_wait3A_310 : memref<64x512xf32, #tpu.memory_space<vmem>>)
        %add3A_314 = arith.constant 0 : i32
        %add3A_315 = arith.addi %mul3A_90, %add3A_314 : i32
        %jit3A_316 = arith.constant 4 : i32
        %div3A_317 = arith.divsi %add3A_315, %jit3A_316 : i32
        %sign3A_318 = arith.constant 0 : i32
        %sign3A_319 = arith.cmpi sgt, %add3A_315, %sign3A_318 : i32
        %sign3A_320 = arith.extui %sign3A_319 : i1 to i32
        %sign3A_321 = arith.constant 0 : i32
        %sign3A_322 = arith.cmpi slt, %add3A_315, %sign3A_321 : i32
        %sign3A_323 = arith.extui %sign3A_322 : i1 to i32
        %sign3A_324 = arith.subi %sign3A_320, %sign3A_323 : i32
        %sign3A_325 = arith.constant 0 : i32
        %sign3A_326 = arith.cmpi sgt, %jit3A_316, %sign3A_325 : i32
        %sign3A_327 = arith.extui %sign3A_326 : i1 to i32
        %sign3A_328 = arith.constant 0 : i32
        %sign3A_329 = arith.cmpi slt, %jit3A_316, %sign3A_328 : i32
        %sign3A_330 = arith.extui %sign3A_329 : i1 to i32
        %sign3A_331 = arith.subi %sign3A_327, %sign3A_330 : i32
        %ne3A_332 = arith.cmpi ne, %sign3A_324, %sign3A_331 : i32
        %rem3A_333 = arith.remsi %add3A_315, %jit3A_316 : i32
        %ne3A_334 = arith.constant 0 : i32
        %ne3A_335 = arith.cmpi ne, %rem3A_333, %ne3A_334 : i32
        %and3A_336 = arith.andi %ne3A_332, %ne3A_335 : i1
        %sub3A_337 = arith.constant 1 : i32
        %sub3A_338 = arith.subi %div3A_317, %sub3A_337 : i32
        %select_n3A_339 = arith.select %and3A_336, %sub3A_338, %div3A_317 : i32
        %mul3A_340 = arith.constant 32 : i32
        %mul3A_341 = arith.muli %select_n3A_339, %mul3A_340 : i32
        %add3A_342 = arith.addi %mul3A_341, %add3A : i32
        %jit3A_343 = arith.constant 4 : i32
        %eq3A = arith.constant 0 : i32
        %eq3A_344 = arith.cmpi eq, %jit3A_343, %eq3A : i32
        %jit3A_345 = arith.constant 1 : i32
        %select_n3A_346 = arith.select %eq3A_344, %jit3A_345, %jit3A_343 : i32
        %rem3A_347 = arith.remsi %add3A_315, %select_n3A_346 : i32
        %ne3A_348 = arith.constant 0 : i32
        %ne3A_349 = arith.cmpi ne, %rem3A_347, %ne3A_348 : i32
        %lt3A_350 = arith.constant 0 : i32
        %lt3A_351 = arith.cmpi slt, %rem3A_347, %lt3A_350 : i32
        %lt3A_352 = arith.constant 0 : i32
        %lt3A_353 = arith.cmpi slt, %select_n3A_346, %lt3A_352 : i32
        %ne3A_354 = arith.xori %lt3A_351, %lt3A_353 : i1
        %and3A_355 = arith.andi %ne3A_354, %ne3A_349 : i1
        %add3A_356 = arith.addi %rem3A_347, %select_n3A_346 : i32
        %select_n3A_357 = arith.select %and3A_355, %add3A_356, %rem3A_347 : i32
        %mul3A_358 = arith.constant 64 : i32
        %mul3A_359 = arith.muli %select_n3A_357, %mul3A_358 : i32
        %dma_start3A_360 = arith.constant 0 : i32
        %dma_start3A_361 = arith.constant 0 : i32
        %dma_start3A_362 = arith.constant 0 : i32
        %dma_start3A_363 = tpu.memref_slice %arg6[%dma_start3A_360, %dma_start3A_361, %dma_start3A_362] : memref<3x64x512xf32, #tpu.memory_space<vmem>> -> memref<1x64x512xf32, #tpu.memory_space<vmem>>
        %dma_start3A_364 = tpu.memref_squeeze %dma_start3A_363 : memref<1x64x512xf32, #tpu.memory_space<vmem>> -> memref<64x512xf32, #tpu.memory_space<vmem>>
        %dma_start3A_365 = arith.constant 0 : i32
        %dma_start3A_366 = tpu.memref_slice %arg4[%add3A_342, %mul3A_359, %dma_start3A_365] : memref<1025x256x512xf32, #tpu.memory_space<hbm>> -> memref<1x64x512xf32, #tpu.memory_space<hbm>>
        %dma_start3A_367 = tpu.memref_squeeze %dma_start3A_366 : memref<1x64x512xf32, #tpu.memory_space<hbm>> -> memref<64x512xf32, #tpu.memory_space<hbm>>
        %dma_start3A_368 = arith.constant 0 : i32
        %dma_start3A_369 = tpu.memref_slice %arg4[%add3A_342, %mul3A_359, %dma_start3A_368] : memref<1025x256x512xf32, #tpu.memory_space<hbm>> -> memref<1x64x512xf32, #tpu.memory_space<hbm>>
        %dma_start3A_370 = tpu.memref_squeeze %dma_start3A_369 : memref<1x64x512xf32, #tpu.memory_space<hbm>> -> memref<64x512xf32, #tpu.memory_space<hbm>>
        %dma_start3A_371 = arith.constant 0 : i32
        %dma_start3A_372 = arith.constant 0 : i32
        %dma_start3A_373 = tpu.memref_slice %arg6[%dma_start3A_360, %dma_start3A_371, %dma_start3A_372] : memref<3x64x512xf32, #tpu.memory_space<vmem>> -> memref<1x64x512xf32, #tpu.memory_space<vmem>>
        %dma_start3A_374 = tpu.memref_squeeze %dma_start3A_373 : memref<1x64x512xf32, #tpu.memory_space<vmem>> -> memref<64x512xf32, #tpu.memory_space<vmem>>
        tpu.enqueue_dma source(%dma_start3A_374 : memref<64x512xf32, #tpu.memory_space<vmem>>) target(%dma_start3A_370 : memref<64x512xf32, #tpu.memory_space<hbm>>) target_semaphore(%arg10 : memref<!tpu.dma_semaphore, #tpu.memory_space<semaphore_mem>>)
      } else {
      }
      %add3A_114 = arith.constant 1 : i32
      %add3A_115 = arith.addi %mul3A_90, %add3A_114 : i32
      %jit3A_116 = arith.constant 4 : i32
      %div3A_117 = arith.divsi %add3A_115, %jit3A_116 : i32
      %sign3A_118 = arith.constant 0 : i32
      %sign3A_119 = arith.cmpi sgt, %add3A_115, %sign3A_118 : i32
      %sign3A_120 = arith.extui %sign3A_119 : i1 to i32
      %sign3A_121 = arith.constant 0 : i32
      %sign3A_122 = arith.cmpi slt, %add3A_115, %sign3A_121 : i32
      %sign3A_123 = arith.extui %sign3A_122 : i1 to i32
      %sign3A_124 = arith.subi %sign3A_120, %sign3A_123 : i32
      %sign3A_125 = arith.constant 0 : i32
      %sign3A_126 = arith.cmpi sgt, %jit3A_116, %sign3A_125 : i32
      %sign3A_127 = arith.extui %sign3A_126 : i1 to i32
      %sign3A_128 = arith.constant 0 : i32
      %sign3A_129 = arith.cmpi slt, %jit3A_116, %sign3A_128 : i32
      %sign3A_130 = arith.extui %sign3A_129 : i1 to i32
      %sign3A_131 = arith.subi %sign3A_127, %sign3A_130 : i32
      %ne3A_132 = arith.cmpi ne, %sign3A_124, %sign3A_131 : i32
      %rem3A_133 = arith.remsi %add3A_115, %jit3A_116 : i32
      %ne3A_134 = arith.constant 0 : i32
      %ne3A_135 = arith.cmpi ne, %rem3A_133, %ne3A_134 : i32
      %and3A_136 = arith.andi %ne3A_132, %ne3A_135 : i1
      %sub3A_137 = arith.constant 1 : i32
      %sub3A_138 = arith.subi %div3A_117, %sub3A_137 : i32
      %select_n3A_139 = arith.select %and3A_136, %sub3A_138, %div3A_117 : i32
      %mul3A_140 = arith.constant 32 : i32
      %mul3A_141 = arith.muli %select_n3A_139, %mul3A_140 : i32
      %add3A_142 = arith.addi %mul3A_141, %add3A : i32
      %lt3A_143 = arith.constant 1025 : i32
      %lt3A_144 = arith.cmpi slt, %add3A_142, %lt3A_143 : i32
      %convert_element_type3A_145 = arith.extui %lt3A_144 : i1 to i32
      %cond3A_146 = arith.constant 0 : i32
      %cond3A_147 = arith.cmpi ne, %convert_element_type3A_145, %cond3A_146 : i32
      scf.if %cond3A_147 {
        %dma_wait3A_299 = arith.constant 1 : i32
        %dma_wait3A_300 = arith.constant 0 : i32
        %dma_wait3A_301 = arith.constant 0 : i32
        %dma_wait3A_302 = tpu.memref_slice %arg6[%dma_wait3A_299, %dma_wait3A_300, %dma_wait3A_301] : memref<3x64x512xf32, #tpu.memory_space<vmem>> -> memref<1x64x512xf32, #tpu.memory_space<vmem>>
        %dma_wait3A_303 = tpu.memref_squeeze %dma_wait3A_302 : memref<1x64x512xf32, #tpu.memory_space<vmem>> -> memref<64x512xf32, #tpu.memory_space<vmem>>
        %dma_wait3A_304 = arith.constant 0 : i32
        %dma_wait3A_305 = arith.constant 0 : i32
        %dma_wait3A_306 = tpu.memref_slice %arg3[%dma_wait3A_304, %dma_wait3A_305] : memref<1025x512xf32, #tpu.memory_space<hbm>> -> memref<64x512xf32, #tpu.memory_space<hbm>>
        %dma_wait3A_307 = arith.constant 0 : i32
        %dma_wait3A_308 = arith.constant 0 : i32
        %dma_wait3A_309 = tpu.memref_slice %arg6[%dma_wait3A_299, %dma_wait3A_307, %dma_wait3A_308] : memref<3x64x512xf32, #tpu.memory_space<vmem>> -> memref<1x64x512xf32, #tpu.memory_space<vmem>>
        %dma_wait3A_310 = tpu.memref_squeeze %dma_wait3A_309 : memref<1x64x512xf32, #tpu.memory_space<vmem>> -> memref<64x512xf32, #tpu.memory_space<vmem>>
        %dma_wait3A_311 = arith.constant 0 : i32
        %dma_wait3A_312 = arith.constant 0 : i32
        %dma_wait3A_313 = tpu.memref_slice %arg3[%dma_wait3A_311, %dma_wait3A_312] : memref<1025x512xf32, #tpu.memory_space<hbm>> -> memref<64x512xf32, #tpu.memory_space<hbm>>
        tpu.wait_dma2 semaphore(%arg8 : memref<!tpu.dma_semaphore, #tpu.memory_space<semaphore_mem>>) src(%dma_wait3A_313 : memref<64x512xf32, #tpu.memory_space<hbm>>) dst(%dma_wait3A_310 : memref<64x512xf32, #tpu.memory_space<vmem>>)
        %add3A_314 = arith.constant 1 : i32
        %add3A_315 = arith.addi %mul3A_90, %add3A_314 : i32
        %jit3A_316 = arith.constant 4 : i32
        %div3A_317 = arith.divsi %add3A_315, %jit3A_316 : i32
        %sign3A_318 = arith.constant 0 : i32
        %sign3A_319 = arith.cmpi sgt, %add3A_315, %sign3A_318 : i32
        %sign3A_320 = arith.extui %sign3A_319 : i1 to i32
        %sign3A_321 = arith.constant 0 : i32
        %sign3A_322 = arith.cmpi slt, %add3A_315, %sign3A_321 : i32
        %sign3A_323 = arith.extui %sign3A_322 : i1 to i32
        %sign3A_324 = arith.subi %sign3A_320, %sign3A_323 : i32
        %sign3A_325 = arith.constant 0 : i32
        %sign3A_326 = arith.cmpi sgt, %jit3A_316, %sign3A_325 : i32
        %sign3A_327 = arith.extui %sign3A_326 : i1 to i32
        %sign3A_328 = arith.constant 0 : i32
        %sign3A_329 = arith.cmpi slt, %jit3A_316, %sign3A_328 : i32
        %sign3A_330 = arith.extui %sign3A_329 : i1 to i32
        %sign3A_331 = arith.subi %sign3A_327, %sign3A_330 : i32
        %ne3A_332 = arith.cmpi ne, %sign3A_324, %sign3A_331 : i32
        %rem3A_333 = arith.remsi %add3A_315, %jit3A_316 : i32
        %ne3A_334 = arith.constant 0 : i32
        %ne3A_335 = arith.cmpi ne, %rem3A_333, %ne3A_334 : i32
        %and3A_336 = arith.andi %ne3A_332, %ne3A_335 : i1
        %sub3A_337 = arith.constant 1 : i32
        %sub3A_338 = arith.subi %div3A_317, %sub3A_337 : i32
        %select_n3A_339 = arith.select %and3A_336, %sub3A_338, %div3A_317 : i32
        %mul3A_340 = arith.constant 32 : i32
        %mul3A_341 = arith.muli %select_n3A_339, %mul3A_340 : i32
        %add3A_342 = arith.addi %mul3A_341, %add3A : i32
        %jit3A_343 = arith.constant 4 : i32
        %eq3A = arith.constant 0 : i32
        %eq3A_344 = arith.cmpi eq, %jit3A_343, %eq3A : i32
        %jit3A_345 = arith.constant 1 : i32
        %select_n3A_346 = arith.select %eq3A_344, %jit3A_345, %jit3A_343 : i32
        %rem3A_347 = arith.remsi %add3A_315, %select_n3A_346 : i32
        %ne3A_348 = arith.constant 0 : i32
        %ne3A_349 = arith.cmpi ne, %rem3A_347, %ne3A_348 : i32
        %lt3A_350 = arith.constant 0 : i32
        %lt3A_351 = arith.cmpi slt, %rem3A_347, %lt3A_350 : i32
        %lt3A_352 = arith.constant 0 : i32
        %lt3A_353 = arith.cmpi slt, %select_n3A_346, %lt3A_352 : i32
        %ne3A_354 = arith.xori %lt3A_351, %lt3A_353 : i1
        %and3A_355 = arith.andi %ne3A_354, %ne3A_349 : i1
        %add3A_356 = arith.addi %rem3A_347, %select_n3A_346 : i32
        %select_n3A_357 = arith.select %and3A_355, %add3A_356, %rem3A_347 : i32
        %mul3A_358 = arith.constant 64 : i32
        %mul3A_359 = arith.muli %select_n3A_357, %mul3A_358 : i32
        %dma_start3A_360 = arith.constant 1 : i32
        %dma_start3A_361 = arith.constant 0 : i32
        %dma_start3A_362 = arith.constant 0 : i32
        %dma_start3A_363 = tpu.memref_slice %arg6[%dma_start3A_360, %dma_start3A_361, %dma_start3A_362] : memref<3x64x512xf32, #tpu.memory_space<vmem>> -> memref<1x64x512xf32, #tpu.memory_space<vmem>>
        %dma_start3A_364 = tpu.memref_squeeze %dma_start3A_363 : memref<1x64x512xf32, #tpu.memory_space<vmem>> -> memref<64x512xf32, #tpu.memory_space<vmem>>
        %dma_start3A_365 = arith.constant 0 : i32
        %dma_start3A_366 = tpu.memref_slice %arg4[%add3A_342, %mul3A_359, %dma_start3A_365] : memref<1025x256x512xf32, #tpu.memory_space<hbm>> -> memref<1x64x512xf32, #tpu.memory_space<hbm>>
        %dma_start3A_367 = tpu.memref_squeeze %dma_start3A_366 : memref<1x64x512xf32, #tpu.memory_space<hbm>> -> memref<64x512xf32, #tpu.memory_space<hbm>>
        %dma_start3A_368 = arith.constant 0 : i32
        %dma_start3A_369 = tpu.memref_slice %arg4[%add3A_342, %mul3A_359, %dma_start3A_368] : memref<1025x256x512xf32, #tpu.memory_space<hbm>> -> memref<1x64x512xf32, #tpu.memory_space<hbm>>
        %dma_start3A_370 = tpu.memref_squeeze %dma_start3A_369 : memref<1x64x512xf32, #tpu.memory_space<hbm>> -> memref<64x512xf32, #tpu.memory_space<hbm>>
        %dma_start3A_371 = arith.constant 0 : i32
        %dma_start3A_372 = arith.constant 0 : i32
        %dma_start3A_373 = tpu.memref_slice %arg6[%dma_start3A_360, %dma_start3A_371, %dma_start3A_372] : memref<3x64x512xf32, #tpu.memory_space<vmem>> -> memref<1x64x512xf32, #tpu.memory_space<vmem>>
        %dma_start3A_374 = tpu.memref_squeeze %dma_start3A_373 : memref<1x64x512xf32, #tpu.memory_space<vmem>> -> memref<64x512xf32, #tpu.memory_space<vmem>>
        tpu.enqueue_dma source(%dma_start3A_374 : memref<64x512xf32, #tpu.memory_space<vmem>>) target(%dma_start3A_370 : memref<64x512xf32, #tpu.memory_space<hbm>>) target_semaphore(%arg11 : memref<!tpu.dma_semaphore, #tpu.memory_space<semaphore_mem>>)
      } else {
      }
      %add3A_148 = arith.constant 2 : i32
      %add3A_149 = arith.addi %mul3A_90, %add3A_148 : i32
      %jit3A_150 = arith.constant 4 : i32
      %div3A_151 = arith.divsi %add3A_149, %jit3A_150 : i32
      %sign3A_152 = arith.constant 0 : i32
      %sign3A_153 = arith.cmpi sgt, %add3A_149, %sign3A_152 : i32
      %sign3A_154 = arith.extui %sign3A_153 : i1 to i32
      %sign3A_155 = arith.constant 0 : i32
      %sign3A_156 = arith.cmpi slt, %add3A_149, %sign3A_155 : i32
      %sign3A_157 = arith.extui %sign3A_156 : i1 to i32
      %sign3A_158 = arith.subi %sign3A_154, %sign3A_157 : i32
      %sign3A_159 = arith.constant 0 : i32
      %sign3A_160 = arith.cmpi sgt, %jit3A_150, %sign3A_159 : i32
      %sign3A_161 = arith.extui %sign3A_160 : i1 to i32
      %sign3A_162 = arith.constant 0 : i32
      %sign3A_163 = arith.cmpi slt, %jit3A_150, %sign3A_162 : i32
      %sign3A_164 = arith.extui %sign3A_163 : i1 to i32
      %sign3A_165 = arith.subi %sign3A_161, %sign3A_164 : i32
      %ne3A_166 = arith.cmpi ne, %sign3A_158, %sign3A_165 : i32
      %rem3A_167 = arith.remsi %add3A_149, %jit3A_150 : i32
      %ne3A_168 = arith.constant 0 : i32
      %ne3A_169 = arith.cmpi ne, %rem3A_167, %ne3A_168 : i32
      %and3A_170 = arith.andi %ne3A_166, %ne3A_169 : i1
      %sub3A_171 = arith.constant 1 : i32
      %sub3A_172 = arith.subi %div3A_151, %sub3A_171 : i32
      %select_n3A_173 = arith.select %and3A_170, %sub3A_172, %div3A_151 : i32
      %mul3A_174 = arith.constant 32 : i32
      %mul3A_175 = arith.muli %select_n3A_173, %mul3A_174 : i32
      %add3A_176 = arith.addi %mul3A_175, %add3A : i32
      %lt3A_177 = arith.constant 1025 : i32
      %lt3A_178 = arith.cmpi slt, %add3A_176, %lt3A_177 : i32
      %convert_element_type3A_179 = arith.extui %lt3A_178 : i1 to i32
      %cond3A_180 = arith.constant 0 : i32
      %cond3A_181 = arith.cmpi ne, %convert_element_type3A_179, %cond3A_180 : i32
      scf.if %cond3A_181 {
        %dma_wait3A_299 = arith.constant 2 : i32
        %dma_wait3A_300 = arith.constant 0 : i32
        %dma_wait3A_301 = arith.constant 0 : i32
        %dma_wait3A_302 = tpu.memref_slice %arg6[%dma_wait3A_299, %dma_wait3A_300, %dma_wait3A_301] : memref<3x64x512xf32, #tpu.memory_space<vmem>> -> memref<1x64x512xf32, #tpu.memory_space<vmem>>
        %dma_wait3A_303 = tpu.memref_squeeze %dma_wait3A_302 : memref<1x64x512xf32, #tpu.memory_space<vmem>> -> memref<64x512xf32, #tpu.memory_space<vmem>>
        %dma_wait3A_304 = arith.constant 0 : i32
        %dma_wait3A_305 = arith.constant 0 : i32
        %dma_wait3A_306 = tpu.memref_slice %arg3[%dma_wait3A_304, %dma_wait3A_305] : memref<1025x512xf32, #tpu.memory_space<hbm>> -> memref<64x512xf32, #tpu.memory_space<hbm>>
        %dma_wait3A_307 = arith.constant 0 : i32
        %dma_wait3A_308 = arith.constant 0 : i32
        %dma_wait3A_309 = tpu.memref_slice %arg6[%dma_wait3A_299, %dma_wait3A_307, %dma_wait3A_308] : memref<3x64x512xf32, #tpu.memory_space<vmem>> -> memref<1x64x512xf32, #tpu.memory_space<vmem>>
        %dma_wait3A_310 = tpu.memref_squeeze %dma_wait3A_309 : memref<1x64x512xf32, #tpu.memory_space<vmem>> -> memref<64x512xf32, #tpu.memory_space<vmem>>
        %dma_wait3A_311 = arith.constant 0 : i32
        %dma_wait3A_312 = arith.constant 0 : i32
        %dma_wait3A_313 = tpu.memref_slice %arg3[%dma_wait3A_311, %dma_wait3A_312] : memref<1025x512xf32, #tpu.memory_space<hbm>> -> memref<64x512xf32, #tpu.memory_space<hbm>>
        tpu.wait_dma2 semaphore(%arg9 : memref<!tpu.dma_semaphore, #tpu.memory_space<semaphore_mem>>) src(%dma_wait3A_313 : memref<64x512xf32, #tpu.memory_space<hbm>>) dst(%dma_wait3A_310 : memref<64x512xf32, #tpu.memory_space<vmem>>)
        %add3A_314 = arith.constant 2 : i32
        %add3A_315 = arith.addi %mul3A_90, %add3A_314 : i32
        %jit3A_316 = arith.constant 4 : i32
        %div3A_317 = arith.divsi %add3A_315, %jit3A_316 : i32
        %sign3A_318 = arith.constant 0 : i32
        %sign3A_319 = arith.cmpi sgt, %add3A_315, %sign3A_318 : i32
        %sign3A_320 = arith.extui %sign3A_319 : i1 to i32
        %sign3A_321 = arith.constant 0 : i32
        %sign3A_322 = arith.cmpi slt, %add3A_315, %sign3A_321 : i32
        %sign3A_323 = arith.extui %sign3A_322 : i1 to i32
        %sign3A_324 = arith.subi %sign3A_320, %sign3A_323 : i32
        %sign3A_325 = arith.constant 0 : i32
        %sign3A_326 = arith.cmpi sgt, %jit3A_316, %sign3A_325 : i32
        %sign3A_327 = arith.extui %sign3A_326 : i1 to i32
        %sign3A_328 = arith.constant 0 : i32
        %sign3A_329 = arith.cmpi slt, %jit3A_316, %sign3A_328 : i32
        %sign3A_330 = arith.extui %sign3A_329 : i1 to i32
        %sign3A_331 = arith.subi %sign3A_327, %sign3A_330 : i32
        %ne3A_332 = arith.cmpi ne, %sign3A_324, %sign3A_331 : i32
        %rem3A_333 = arith.remsi %add3A_315, %jit3A_316 : i32
        %ne3A_334 = arith.constant 0 : i32
        %ne3A_335 = arith.cmpi ne, %rem3A_333, %ne3A_334 : i32
        %and3A_336 = arith.andi %ne3A_332, %ne3A_335 : i1
        %sub3A_337 = arith.constant 1 : i32
        %sub3A_338 = arith.subi %div3A_317, %sub3A_337 : i32
        %select_n3A_339 = arith.select %and3A_336, %sub3A_338, %div3A_317 : i32
        %mul3A_340 = arith.constant 32 : i32
        %mul3A_341 = arith.muli %select_n3A_339, %mul3A_340 : i32
        %add3A_342 = arith.addi %mul3A_341, %add3A : i32
        %jit3A_343 = arith.constant 4 : i32
        %eq3A = arith.constant 0 : i32
        %eq3A_344 = arith.cmpi eq, %jit3A_343, %eq3A : i32
        %jit3A_345 = arith.constant 1 : i32
        %select_n3A_346 = arith.select %eq3A_344, %jit3A_345, %jit3A_343 : i32
        %rem3A_347 = arith.remsi %add3A_315, %select_n3A_346 : i32
        %ne3A_348 = arith.constant 0 : i32
        %ne3A_349 = arith.cmpi ne, %rem3A_347, %ne3A_348 : i32
        %lt3A_350 = arith.constant 0 : i32
        %lt3A_351 = arith.cmpi slt, %rem3A_347, %lt3A_350 : i32
        %lt3A_352 = arith.constant 0 : i32
        %lt3A_353 = arith.cmpi slt, %select_n3A_346, %lt3A_352 : i32
        %ne3A_354 = arith.xori %lt3A_351, %lt3A_353 : i1
        %and3A_355 = arith.andi %ne3A_354, %ne3A_349 : i1
        %add3A_356 = arith.addi %rem3A_347, %select_n3A_346 : i32
        %select_n3A_357 = arith.select %and3A_355, %add3A_356, %rem3A_347 : i32
        %mul3A_358 = arith.constant 64 : i32
        %mul3A_359 = arith.muli %select_n3A_357, %mul3A_358 : i32
        %dma_start3A_360 = arith.constant 2 : i32
        %dma_start3A_361 = arith.constant 0 : i32
        %dma_start3A_362 = arith.constant 0 : i32
        %dma_start3A_363 = tpu.memref_slice %arg6[%dma_start3A_360, %dma_start3A_361, %dma_start3A_362] : memref<3x64x512xf32, #tpu.memory_space<vmem>> -> memref<1x64x512xf32, #tpu.memory_space<vmem>>
        %dma_start3A_364 = tpu.memref_squeeze %dma_start3A_363 : memref<1x64x512xf32, #tpu.memory_space<vmem>> -> memref<64x512xf32, #tpu.memory_space<vmem>>
        %dma_start3A_365 = arith.constant 0 : i32
        %dma_start3A_366 = tpu.memref_slice %arg4[%add3A_342, %mul3A_359, %dma_start3A_365] : memref<1025x256x512xf32, #tpu.memory_space<hbm>> -> memref<1x64x512xf32, #tpu.memory_space<hbm>>
        %dma_start3A_367 = tpu.memref_squeeze %dma_start3A_366 : memref<1x64x512xf32, #tpu.memory_space<hbm>> -> memref<64x512xf32, #tpu.memory_space<hbm>>
        %dma_start3A_368 = arith.constant 0 : i32
        %dma_start3A_369 = tpu.memref_slice %arg4[%add3A_342, %mul3A_359, %dma_start3A_368] : memref<1025x256x512xf32, #tpu.memory_space<hbm>> -> memref<1x64x512xf32, #tpu.memory_space<hbm>>
        %dma_start3A_370 = tpu.memref_squeeze %dma_start3A_369 : memref<1x64x512xf32, #tpu.memory_space<hbm>> -> memref<64x512xf32, #tpu.memory_space<hbm>>
        %dma_start3A_371 = arith.constant 0 : i32
        %dma_start3A_372 = arith.constant 0 : i32
        %dma_start3A_373 = tpu.memref_slice %arg6[%dma_start3A_360, %dma_start3A_371, %dma_start3A_372] : memref<3x64x512xf32, #tpu.memory_space<vmem>> -> memref<1x64x512xf32, #tpu.memory_space<vmem>>
        %dma_start3A_374 = tpu.memref_squeeze %dma_start3A_373 : memref<1x64x512xf32, #tpu.memory_space<vmem>> -> memref<64x512xf32, #tpu.memory_space<vmem>>
        tpu.enqueue_dma source(%dma_start3A_374 : memref<64x512xf32, #tpu.memory_space<vmem>>) target(%dma_start3A_370 : memref<64x512xf32, #tpu.memory_space<hbm>>) target_semaphore(%arg12 : memref<!tpu.dma_semaphore, #tpu.memory_space<semaphore_mem>>)
      } else {
      }
      %add3A_182 = arith.constant 0 : i32
      %add3A_183 = arith.addi %mul3A_90, %add3A_182 : i32
      %add3A_184 = arith.constant 3 : i32
      %add3A_185 = arith.addi %add3A_183, %add3A_184 : i32
      %lt3A_186 = arith.constant 132 : i32
      %lt3A_187 = arith.cmpi slt, %add3A_185, %lt3A_186 : i32
      %jit3A_188 = arith.constant 4 : i32
      %div3A_189 = arith.divsi %add3A_185, %jit3A_188 : i32
      %sign3A_190 = arith.constant 0 : i32
      %sign3A_191 = arith.cmpi sgt, %add3A_185, %sign3A_190 : i32
      %sign3A_192 = arith.extui %sign3A_191 : i1 to i32
      %sign3A_193 = arith.constant 0 : i32
      %sign3A_194 = arith.cmpi slt, %add3A_185, %sign3A_193 : i32
      %sign3A_195 = arith.extui %sign3A_194 : i1 to i32
      %sign3A_196 = arith.subi %sign3A_192, %sign3A_195 : i32
      %sign3A_197 = arith.constant 0 : i32
      %sign3A_198 = arith.cmpi sgt, %jit3A_188, %sign3A_197 : i32
      %sign3A_199 = arith.extui %sign3A_198 : i1 to i32
      %sign3A_200 = arith.constant 0 : i32
      %sign3A_201 = arith.cmpi slt, %jit3A_188, %sign3A_200 : i32
      %sign3A_202 = arith.extui %sign3A_201 : i1 to i32
      %sign3A_203 = arith.subi %sign3A_199, %sign3A_202 : i32
      %ne3A_204 = arith.cmpi ne, %sign3A_196, %sign3A_203 : i32
      %rem3A_205 = arith.remsi %add3A_185, %jit3A_188 : i32
      %ne3A_206 = arith.constant 0 : i32
      %ne3A_207 = arith.cmpi ne, %rem3A_205, %ne3A_206 : i32
      %and3A_208 = arith.andi %ne3A_204, %ne3A_207 : i1
      %sub3A_209 = arith.constant 1 : i32
      %sub3A_210 = arith.subi %div3A_189, %sub3A_209 : i32
      %select_n3A_211 = arith.select %and3A_208, %sub3A_210, %div3A_189 : i32
      %mul3A_212 = arith.constant 32 : i32
      %mul3A_213 = arith.muli %select_n3A_211, %mul3A_212 : i32
      %add3A_214 = arith.addi %mul3A_213, %add3A : i32
      %lt3A_215 = arith.constant 1025 : i32
      %lt3A_216 = arith.cmpi slt, %add3A_214, %lt3A_215 : i32
      %and3A_217 = arith.andi %lt3A_187, %lt3A_216 : i1
      %convert_element_type3A_218 = arith.extui %and3A_217 : i1 to i32
      %cond3A_219 = arith.constant 0 : i32
      %cond3A_220 = arith.cmpi ne, %convert_element_type3A_218, %cond3A_219 : i32
      scf.if %cond3A_220 {
        %dma_wait3A_299 = arith.constant 0 : i32
        %dma_wait3A_300 = arith.constant 0 : i32
        %dma_wait3A_301 = arith.constant 0 : i32
        %dma_wait3A_302 = tpu.memref_slice %arg6[%dma_wait3A_299, %dma_wait3A_300, %dma_wait3A_301] : memref<3x64x512xf32, #tpu.memory_space<vmem>> -> memref<1x64x512xf32, #tpu.memory_space<vmem>>
        %dma_wait3A_303 = tpu.memref_squeeze %dma_wait3A_302 : memref<1x64x512xf32, #tpu.memory_space<vmem>> -> memref<64x512xf32, #tpu.memory_space<vmem>>
        %dma_wait3A_304 = arith.constant 0 : i32
        %dma_wait3A_305 = arith.constant 0 : i32
        %dma_wait3A_306 = tpu.memref_slice %arg3[%dma_wait3A_304, %dma_wait3A_305] : memref<1025x512xf32, #tpu.memory_space<hbm>> -> memref<64x512xf32, #tpu.memory_space<hbm>>
        %dma_wait3A_307 = arith.constant 0 : i32
        %dma_wait3A_308 = arith.constant 0 : i32
        %dma_wait3A_309 = tpu.memref_slice %arg6[%dma_wait3A_299, %dma_wait3A_307, %dma_wait3A_308] : memref<3x64x512xf32, #tpu.memory_space<vmem>> -> memref<1x64x512xf32, #tpu.memory_space<vmem>>
        %dma_wait3A_310 = tpu.memref_squeeze %dma_wait3A_309 : memref<1x64x512xf32, #tpu.memory_space<vmem>> -> memref<64x512xf32, #tpu.memory_space<vmem>>
        %dma_wait3A_311 = arith.constant 0 : i32
        %dma_wait3A_312 = arith.constant 0 : i32
        %dma_wait3A_313 = tpu.memref_slice %arg3[%dma_wait3A_311, %dma_wait3A_312] : memref<1025x512xf32, #tpu.memory_space<hbm>> -> memref<64x512xf32, #tpu.memory_space<hbm>>
        tpu.wait_dma2 semaphore(%arg10 : memref<!tpu.dma_semaphore, #tpu.memory_space<semaphore_mem>>) src(%dma_wait3A_313 : memref<64x512xf32, #tpu.memory_space<hbm>>) dst(%dma_wait3A_310 : memref<64x512xf32, #tpu.memory_space<vmem>>)
        %jit3A_314 = arith.constant 4 : i32
        %div3A_315 = arith.divsi %add3A_185, %jit3A_314 : i32
        %sign3A_316 = arith.constant 0 : i32
        %sign3A_317 = arith.cmpi sgt, %add3A_185, %sign3A_316 : i32
        %sign3A_318 = arith.extui %sign3A_317 : i1 to i32
        %sign3A_319 = arith.constant 0 : i32
        %sign3A_320 = arith.cmpi slt, %add3A_185, %sign3A_319 : i32
        %sign3A_321 = arith.extui %sign3A_320 : i1 to i32
        %sign3A_322 = arith.subi %sign3A_318, %sign3A_321 : i32
        %sign3A_323 = arith.constant 0 : i32
        %sign3A_324 = arith.cmpi sgt, %jit3A_314, %sign3A_323 : i32
        %sign3A_325 = arith.extui %sign3A_324 : i1 to i32
        %sign3A_326 = arith.constant 0 : i32
        %sign3A_327 = arith.cmpi slt, %jit3A_314, %sign3A_326 : i32
        %sign3A_328 = arith.extui %sign3A_327 : i1 to i32
        %sign3A_329 = arith.subi %sign3A_325, %sign3A_328 : i32
        %ne3A_330 = arith.cmpi ne, %sign3A_322, %sign3A_329 : i32
        %rem3A_331 = arith.remsi %add3A_185, %jit3A_314 : i32
        %ne3A_332 = arith.constant 0 : i32
        %ne3A_333 = arith.cmpi ne, %rem3A_331, %ne3A_332 : i32
        %and3A_334 = arith.andi %ne3A_330, %ne3A_333 : i1
        %sub3A_335 = arith.constant 1 : i32
        %sub3A_336 = arith.subi %div3A_315, %sub3A_335 : i32
        %select_n3A_337 = arith.select %and3A_334, %sub3A_336, %div3A_315 : i32
        %jit3A_338 = arith.constant 4 : i32
        %eq3A = arith.constant 0 : i32
        %eq3A_339 = arith.cmpi eq, %jit3A_338, %eq3A : i32
        %jit3A_340 = arith.constant 1 : i32
        %select_n3A_341 = arith.select %eq3A_339, %jit3A_340, %jit3A_338 : i32
        %rem3A_342 = arith.remsi %add3A_185, %select_n3A_341 : i32
        %ne3A_343 = arith.constant 0 : i32
        %ne3A_344 = arith.cmpi ne, %rem3A_342, %ne3A_343 : i32
        %lt3A_345 = arith.constant 0 : i32
        %lt3A_346 = arith.cmpi slt, %rem3A_342, %lt3A_345 : i32
        %lt3A_347 = arith.constant 0 : i32
        %lt3A_348 = arith.cmpi slt, %select_n3A_341, %lt3A_347 : i32
        %ne3A_349 = arith.xori %lt3A_346, %lt3A_348 : i1
        %and3A_350 = arith.andi %ne3A_349, %ne3A_344 : i1
        %add3A_351 = arith.addi %rem3A_342, %select_n3A_341 : i32
        %select_n3A_352 = arith.select %and3A_350, %add3A_351, %rem3A_342 : i32
        %dma_start3A_353 = arith.constant 0 : i32
        %dma_start3A_354 = arith.constant 0 : i32
        %dma_start3A_355 = arith.constant 0 : i32
        %dma_start3A_356 = tpu.memref_slice %arg6[%dma_start3A_353, %dma_start3A_354, %dma_start3A_355] : memref<3x64x512xf32, #tpu.memory_space<vmem>> -> memref<1x64x512xf32, #tpu.memory_space<vmem>>
        %dma_start3A_357 = tpu.memref_squeeze %dma_start3A_356 : memref<1x64x512xf32, #tpu.memory_space<vmem>> -> memref<64x512xf32, #tpu.memory_space<vmem>>
        %dma_start3A_358 = arith.constant 0 : i32
        %dma_start3A_359 = tpu.memref_slice %arg5[%select_n3A_337, %select_n3A_352, %dma_start3A_358] : memref<33x4x64xi32, #tpu.memory_space<vmem>> -> memref<1x1x64xi32, #tpu.memory_space<vmem>>
        %dma_start3A_360 = tpu.memref_squeeze %dma_start3A_359 : memref<1x1x64xi32, #tpu.memory_space<vmem>> -> memref<64xi32, #tpu.memory_space<vmem>>
        %dma_start3A_361 = arith.constant 0 : i32
        %dma_start3A_362 = arith.constant 0 : i32
        %dma_start3A_363 = tpu.memref_slice %arg3[%dma_start3A_361, %dma_start3A_362] : memref<1025x512xf32, #tpu.memory_space<hbm>> -> memref<1025x512xf32, #tpu.memory_space<hbm>>
        tpu.enqueue_indirect_dma source(%dma_start3A_363 : memref<1025x512xf32, #tpu.memory_space<hbm>>) target(%dma_start3A_357 : memref<64x512xf32, #tpu.memory_space<vmem>>) offsets(%dma_start3A_360 : memref<64xi32, #tpu.memory_space<vmem>>) semaphore(%arg7 : memref<!tpu.dma_semaphore, #tpu.memory_space<semaphore_mem>>)
      } else {
      }
      %add3A_221 = arith.constant 1 : i32
      %add3A_222 = arith.addi %mul3A_90, %add3A_221 : i32
      %add3A_223 = arith.constant 3 : i32
      %add3A_224 = arith.addi %add3A_222, %add3A_223 : i32
      %lt3A_225 = arith.constant 132 : i32
      %lt3A_226 = arith.cmpi slt, %add3A_224, %lt3A_225 : i32
      %jit3A_227 = arith.constant 4 : i32
      %div3A_228 = arith.divsi %add3A_224, %jit3A_227 : i32
      %sign3A_229 = arith.constant 0 : i32
      %sign3A_230 = arith.cmpi sgt, %add3A_224, %sign3A_229 : i32
      %sign3A_231 = arith.extui %sign3A_230 : i1 to i32
      %sign3A_232 = arith.constant 0 : i32
      %sign3A_233 = arith.cmpi slt, %add3A_224, %sign3A_232 : i32
      %sign3A_234 = arith.extui %sign3A_233 : i1 to i32
      %sign3A_235 = arith.subi %sign3A_231, %sign3A_234 : i32
      %sign3A_236 = arith.constant 0 : i32
      %sign3A_237 = arith.cmpi sgt, %jit3A_227, %sign3A_236 : i32
      %sign3A_238 = arith.extui %sign3A_237 : i1 to i32
      %sign3A_239 = arith.constant 0 : i32
      %sign3A_240 = arith.cmpi slt, %jit3A_227, %sign3A_239 : i32
      %sign3A_241 = arith.extui %sign3A_240 : i1 to i32
      %sign3A_242 = arith.subi %sign3A_238, %sign3A_241 : i32
      %ne3A_243 = arith.cmpi ne, %sign3A_235, %sign3A_242 : i32
      %rem3A_244 = arith.remsi %add3A_224, %jit3A_227 : i32
      %ne3A_245 = arith.constant 0 : i32
      %ne3A_246 = arith.cmpi ne, %rem3A_244, %ne3A_245 : i32
      %and3A_247 = arith.andi %ne3A_243, %ne3A_246 : i1
      %sub3A_248 = arith.constant 1 : i32
      %sub3A_249 = arith.subi %div3A_228, %sub3A_248 : i32
      %select_n3A_250 = arith.select %and3A_247, %sub3A_249, %div3A_228 : i32
      %mul3A_251 = arith.constant 32 : i32
      %mul3A_252 = arith.muli %select_n3A_250, %mul3A_251 : i32
      %add3A_253 = arith.addi %mul3A_252, %add3A : i32
      %lt3A_254 = arith.constant 1025 : i32
      %lt3A_255 = arith.cmpi slt, %add3A_253, %lt3A_254 : i32
      %and3A_256 = arith.andi %lt3A_226, %lt3A_255 : i1
      %convert_element_type3A_257 = arith.extui %and3A_256 : i1 to i32
      %cond3A_258 = arith.constant 0 : i32
      %cond3A_259 = arith.cmpi ne, %convert_element_type3A_257, %cond3A_258 : i32
      scf.if %cond3A_259 {
        %dma_wait3A_299 = arith.constant 1 : i32
        %dma_wait3A_300 = arith.constant 0 : i32
        %dma_wait3A_301 = arith.constant 0 : i32
        %dma_wait3A_302 = tpu.memref_slice %arg6[%dma_wait3A_299, %dma_wait3A_300, %dma_wait3A_301] : memref<3x64x512xf32, #tpu.memory_space<vmem>> -> memref<1x64x512xf32, #tpu.memory_space<vmem>>
        %dma_wait3A_303 = tpu.memref_squeeze %dma_wait3A_302 : memref<1x64x512xf32, #tpu.memory_space<vmem>> -> memref<64x512xf32, #tpu.memory_space<vmem>>
        %dma_wait3A_304 = arith.constant 0 : i32
        %dma_wait3A_305 = arith.constant 0 : i32
        %dma_wait3A_306 = tpu.memref_slice %arg3[%dma_wait3A_304, %dma_wait3A_305] : memref<1025x512xf32, #tpu.memory_space<hbm>> -> memref<64x512xf32, #tpu.memory_space<hbm>>
        %dma_wait3A_307 = arith.constant 0 : i32
        %dma_wait3A_308 = arith.constant 0 : i32
        %dma_wait3A_309 = tpu.memref_slice %arg6[%dma_wait3A_299, %dma_wait3A_307, %dma_wait3A_308] : memref<3x64x512xf32, #tpu.memory_space<vmem>> -> memref<1x64x512xf32, #tpu.memory_space<vmem>>
        %dma_wait3A_310 = tpu.memref_squeeze %dma_wait3A_309 : memref<1x64x512xf32, #tpu.memory_space<vmem>> -> memref<64x512xf32, #tpu.memory_space<vmem>>
        %dma_wait3A_311 = arith.constant 0 : i32
        %dma_wait3A_312 = arith.constant 0 : i32
        %dma_wait3A_313 = tpu.memref_slice %arg3[%dma_wait3A_311, %dma_wait3A_312] : memref<1025x512xf32, #tpu.memory_space<hbm>> -> memref<64x512xf32, #tpu.memory_space<hbm>>
        tpu.wait_dma2 semaphore(%arg11 : memref<!tpu.dma_semaphore, #tpu.memory_space<semaphore_mem>>) src(%dma_wait3A_313 : memref<64x512xf32, #tpu.memory_space<hbm>>) dst(%dma_wait3A_310 : memref<64x512xf32, #tpu.memory_space<vmem>>)
        %jit3A_314 = arith.constant 4 : i32
        %div3A_315 = arith.divsi %add3A_224, %jit3A_314 : i32
        %sign3A_316 = arith.constant 0 : i32
        %sign3A_317 = arith.cmpi sgt, %add3A_224, %sign3A_316 : i32
        %sign3A_318 = arith.extui %sign3A_317 : i1 to i32
        %sign3A_319 = arith.constant 0 : i32
        %sign3A_320 = arith.cmpi slt, %add3A_224, %sign3A_319 : i32
        %sign3A_321 = arith.extui %sign3A_320 : i1 to i32
        %sign3A_322 = arith.subi %sign3A_318, %sign3A_321 : i32
        %sign3A_323 = arith.constant 0 : i32
        %sign3A_324 = arith.cmpi sgt, %jit3A_314, %sign3A_323 : i32
        %sign3A_325 = arith.extui %sign3A_324 : i1 to i32
        %sign3A_326 = arith.constant 0 : i32
        %sign3A_327 = arith.cmpi slt, %jit3A_314, %sign3A_326 : i32
        %sign3A_328 = arith.extui %sign3A_327 : i1 to i32
        %sign3A_329 = arith.subi %sign3A_325, %sign3A_328 : i32
        %ne3A_330 = arith.cmpi ne, %sign3A_322, %sign3A_329 : i32
        %rem3A_331 = arith.remsi %add3A_224, %jit3A_314 : i32
        %ne3A_332 = arith.constant 0 : i32
        %ne3A_333 = arith.cmpi ne, %rem3A_331, %ne3A_332 : i32
        %and3A_334 = arith.andi %ne3A_330, %ne3A_333 : i1
        %sub3A_335 = arith.constant 1 : i32
        %sub3A_336 = arith.subi %div3A_315, %sub3A_335 : i32
        %select_n3A_337 = arith.select %and3A_334, %sub3A_336, %div3A_315 : i32
        %jit3A_338 = arith.constant 4 : i32
        %eq3A = arith.constant 0 : i32
        %eq3A_339 = arith.cmpi eq, %jit3A_338, %eq3A : i32
        %jit3A_340 = arith.constant 1 : i32
        %select_n3A_341 = arith.select %eq3A_339, %jit3A_340, %jit3A_338 : i32
        %rem3A_342 = arith.remsi %add3A_224, %select_n3A_341 : i32
        %ne3A_343 = arith.constant 0 : i32
        %ne3A_344 = arith.cmpi ne, %rem3A_342, %ne3A_343 : i32
        %lt3A_345 = arith.constant 0 : i32
        %lt3A_346 = arith.cmpi slt, %rem3A_342, %lt3A_345 : i32
        %lt3A_347 = arith.constant 0 : i32
        %lt3A_348 = arith.cmpi slt, %select_n3A_341, %lt3A_347 : i32
        %ne3A_349 = arith.xori %lt3A_346, %lt3A_348 : i1
        %and3A_350 = arith.andi %ne3A_349, %ne3A_344 : i1
        %add3A_351 = arith.addi %rem3A_342, %select_n3A_341 : i32
        %select_n3A_352 = arith.select %and3A_350, %add3A_351, %rem3A_342 : i32
        %dma_start3A_353 = arith.constant 1 : i32
        %dma_start3A_354 = arith.constant 0 : i32
        %dma_start3A_355 = arith.constant 0 : i32
        %dma_start3A_356 = tpu.memref_slice %arg6[%dma_start3A_353, %dma_start3A_354, %dma_start3A_355] : memref<3x64x512xf32, #tpu.memory_space<vmem>> -> memref<1x64x512xf32, #tpu.memory_space<vmem>>
        %dma_start3A_357 = tpu.memref_squeeze %dma_start3A_356 : memref<1x64x512xf32, #tpu.memory_space<vmem>> -> memref<64x512xf32, #tpu.memory_space<vmem>>
        %dma_start3A_358 = arith.constant 0 : i32
        %dma_start3A_359 = tpu.memref_slice %arg5[%select_n3A_337, %select_n3A_352, %dma_start3A_358] : memref<33x4x64xi32, #tpu.memory_space<vmem>> -> memref<1x1x64xi32, #tpu.memory_space<vmem>>
        %dma_start3A_360 = tpu.memref_squeeze %dma_start3A_359 : memref<1x1x64xi32, #tpu.memory_space<vmem>> -> memref<64xi32, #tpu.memory_space<vmem>>
        %dma_start3A_361 = arith.constant 0 : i32
        %dma_start3A_362 = arith.constant 0 : i32
        %dma_start3A_363 = tpu.memref_slice %arg3[%dma_start3A_361, %dma_start3A_362] : memref<1025x512xf32, #tpu.memory_space<hbm>> -> memref<1025x512xf32, #tpu.memory_space<hbm>>
        tpu.enqueue_indirect_dma source(%dma_start3A_363 : memref<1025x512xf32, #tpu.memory_space<hbm>>) target(%dma_start3A_357 : memref<64x512xf32, #tpu.memory_space<vmem>>) offsets(%dma_start3A_360 : memref<64xi32, #tpu.memory_space<vmem>>) semaphore(%arg8 : memref<!tpu.dma_semaphore, #tpu.memory_space<semaphore_mem>>)
      } else {
      }
      %add3A_260 = arith.constant 2 : i32
      %add3A_261 = arith.addi %mul3A_90, %add3A_260 : i32
      %add3A_262 = arith.constant 3 : i32
      %add3A_263 = arith.addi %add3A_261, %add3A_262 : i32
      %lt3A_264 = arith.constant 132 : i32
      %lt3A_265 = arith.cmpi slt, %add3A_263, %lt3A_264 : i32
      %jit3A_266 = arith.constant 4 : i32
      %div3A_267 = arith.divsi %add3A_263, %jit3A_266 : i32
      %sign3A_268 = arith.constant 0 : i32
      %sign3A_269 = arith.cmpi sgt, %add3A_263, %sign3A_268 : i32
      %sign3A_270 = arith.extui %sign3A_269 : i1 to i32
      %sign3A_271 = arith.constant 0 : i32
      %sign3A_272 = arith.cmpi slt, %add3A_263, %sign3A_271 : i32
      %sign3A_273 = arith.extui %sign3A_272 : i1 to i32
      %sign3A_274 = arith.subi %sign3A_270, %sign3A_273 : i32
      %sign3A_275 = arith.constant 0 : i32
      %sign3A_276 = arith.cmpi sgt, %jit3A_266, %sign3A_275 : i32
      %sign3A_277 = arith.extui %sign3A_276 : i1 to i32
      %sign3A_278 = arith.constant 0 : i32
      %sign3A_279 = arith.cmpi slt, %jit3A_266, %sign3A_278 : i32
      %sign3A_280 = arith.extui %sign3A_279 : i1 to i32
      %sign3A_281 = arith.subi %sign3A_277, %sign3A_280 : i32
      %ne3A_282 = arith.cmpi ne, %sign3A_274, %sign3A_281 : i32
      %rem3A_283 = arith.remsi %add3A_263, %jit3A_266 : i32
      %ne3A_284 = arith.constant 0 : i32
      %ne3A_285 = arith.cmpi ne, %rem3A_283, %ne3A_284 : i32
      %and3A_286 = arith.andi %ne3A_282, %ne3A_285 : i1
      %sub3A_287 = arith.constant 1 : i32
      %sub3A_288 = arith.subi %div3A_267, %sub3A_287 : i32
      %select_n3A_289 = arith.select %and3A_286, %sub3A_288, %div3A_267 : i32
      %mul3A_290 = arith.constant 32 : i32
      %mul3A_291 = arith.muli %select_n3A_289, %mul3A_290 : i32
      %add3A_292 = arith.addi %mul3A_291, %add3A : i32
      %lt3A_293 = arith.constant 1025 : i32
      %lt3A_294 = arith.cmpi slt, %add3A_292, %lt3A_293 : i32
      %and3A_295 = arith.andi %lt3A_265, %lt3A_294 : i1
      %convert_element_type3A_296 = arith.extui %and3A_295 : i1 to i32
      %cond3A_297 = arith.constant 0 : i32
      %cond3A_298 = arith.cmpi ne, %convert_element_type3A_296, %cond3A_297 : i32
      scf.if %cond3A_298 {
        %dma_wait3A_299 = arith.constant 2 : i32
        %dma_wait3A_300 = arith.constant 0 : i32
        %dma_wait3A_301 = arith.constant 0 : i32
        %dma_wait3A_302 = tpu.memref_slice %arg6[%dma_wait3A_299, %dma_wait3A_300, %dma_wait3A_301] : memref<3x64x512xf32, #tpu.memory_space<vmem>> -> memref<1x64x512xf32, #tpu.memory_space<vmem>>
        %dma_wait3A_303 = tpu.memref_squeeze %dma_wait3A_302 : memref<1x64x512xf32, #tpu.memory_space<vmem>> -> memref<64x512xf32, #tpu.memory_space<vmem>>
        %dma_wait3A_304 = arith.constant 0 : i32
        %dma_wait3A_305 = arith.constant 0 : i32
        %dma_wait3A_306 = tpu.memref_slice %arg3[%dma_wait3A_304, %dma_wait3A_305] : memref<1025x512xf32, #tpu.memory_space<hbm>> -> memref<64x512xf32, #tpu.memory_space<hbm>>
        %dma_wait3A_307 = arith.constant 0 : i32
        %dma_wait3A_308 = arith.constant 0 : i32
        %dma_wait3A_309 = tpu.memref_slice %arg6[%dma_wait3A_299, %dma_wait3A_307, %dma_wait3A_308] : memref<3x64x512xf32, #tpu.memory_space<vmem>> -> memref<1x64x512xf32, #tpu.memory_space<vmem>>
        %dma_wait3A_310 = tpu.memref_squeeze %dma_wait3A_309 : memref<1x64x512xf32, #tpu.memory_space<vmem>> -> memref<64x512xf32, #tpu.memory_space<vmem>>
        %dma_wait3A_311 = arith.constant 0 : i32
        %dma_wait3A_312 = arith.constant 0 : i32
        %dma_wait3A_313 = tpu.memref_slice %arg3[%dma_wait3A_311, %dma_wait3A_312] : memref<1025x512xf32, #tpu.memory_space<hbm>> -> memref<64x512xf32, #tpu.memory_space<hbm>>
        tpu.wait_dma2 semaphore(%arg12 : memref<!tpu.dma_semaphore, #tpu.memory_space<semaphore_mem>>) src(%dma_wait3A_313 : memref<64x512xf32, #tpu.memory_space<hbm>>) dst(%dma_wait3A_310 : memref<64x512xf32, #tpu.memory_space<vmem>>)
        %jit3A_314 = arith.constant 4 : i32
        %div3A_315 = arith.divsi %add3A_263, %jit3A_314 : i32
        %sign3A_316 = arith.constant 0 : i32
        %sign3A_317 = arith.cmpi sgt, %add3A_263, %sign3A_316 : i32
        %sign3A_318 = arith.extui %sign3A_317 : i1 to i32
        %sign3A_319 = arith.constant 0 : i32
        %sign3A_320 = arith.cmpi slt, %add3A_263, %sign3A_319 : i32
        %sign3A_321 = arith.extui %sign3A_320 : i1 to i32
        %sign3A_322 = arith.subi %sign3A_318, %sign3A_321 : i32
        %sign3A_323 = arith.constant 0 : i32
        %sign3A_324 = arith.cmpi sgt, %jit3A_314, %sign3A_323 : i32
        %sign3A_325 = arith.extui %sign3A_324 : i1 to i32
        %sign3A_326 = arith.constant 0 : i32
        %sign3A_327 = arith.cmpi slt, %jit3A_314, %sign3A_326 : i32
        %sign3A_328 = arith.extui %sign3A_327 : i1 to i32
        %sign3A_329 = arith.subi %sign3A_325, %sign3A_328 : i32
        %ne3A_330 = arith.cmpi ne, %sign3A_322, %sign3A_329 : i32
        %rem3A_331 = arith.remsi %add3A_263, %jit3A_314 : i32
        %ne3A_332 = arith.constant 0 : i32
        %ne3A_333 = arith.cmpi ne, %rem3A_331, %ne3A_332 : i32
        %and3A_334 = arith.andi %ne3A_330, %ne3A_333 : i1
        %sub3A_335 = arith.constant 1 : i32
        %sub3A_336 = arith.subi %div3A_315, %sub3A_335 : i32
        %select_n3A_337 = arith.select %and3A_334, %sub3A_336, %div3A_315 : i32
        %jit3A_338 = arith.constant 4 : i32
        %eq3A = arith.constant 0 : i32
        %eq3A_339 = arith.cmpi eq, %jit3A_338, %eq3A : i32
        %jit3A_340 = arith.constant 1 : i32
        %select_n3A_341 = arith.select %eq3A_339, %jit3A_340, %jit3A_338 : i32
        %rem3A_342 = arith.remsi %add3A_263, %select_n3A_341 : i32
        %ne3A_343 = arith.constant 0 : i32
        %ne3A_344 = arith.cmpi ne, %rem3A_342, %ne3A_343 : i32
        %lt3A_345 = arith.constant 0 : i32
        %lt3A_346 = arith.cmpi slt, %rem3A_342, %lt3A_345 : i32
        %lt3A_347 = arith.constant 0 : i32
        %lt3A_348 = arith.cmpi slt, %select_n3A_341, %lt3A_347 : i32
        %ne3A_349 = arith.xori %lt3A_346, %lt3A_348 : i1
        %and3A_350 = arith.andi %ne3A_349, %ne3A_344 : i1
        %add3A_351 = arith.addi %rem3A_342, %select_n3A_341 : i32
        %select_n3A_352 = arith.select %and3A_350, %add3A_351, %rem3A_342 : i32
        %dma_start3A_353 = arith.constant 2 : i32
        %dma_start3A_354 = arith.constant 0 : i32
        %dma_start3A_355 = arith.constant 0 : i32
        %dma_start3A_356 = tpu.memref_slice %arg6[%dma_start3A_353, %dma_start3A_354, %dma_start3A_355] : memref<3x64x512xf32, #tpu.memory_space<vmem>> -> memref<1x64x512xf32, #tpu.memory_space<vmem>>
        %dma_start3A_357 = tpu.memref_squeeze %dma_start3A_356 : memref<1x64x512xf32, #tpu.memory_space<vmem>> -> memref<64x512xf32, #tpu.memory_space<vmem>>
        %dma_start3A_358 = arith.constant 0 : i32
        %dma_start3A_359 = tpu.memref_slice %arg5[%select_n3A_337, %select_n3A_352, %dma_start3A_358] : memref<33x4x64xi32, #tpu.memory_space<vmem>> -> memref<1x1x64xi32, #tpu.memory_space<vmem>>
        %dma_start3A_360 = tpu.memref_squeeze %dma_start3A_359 : memref<1x1x64xi32, #tpu.memory_space<vmem>> -> memref<64xi32, #tpu.memory_space<vmem>>
        %dma_start3A_361 = arith.constant 0 : i32
        %dma_start3A_362 = arith.constant 0 : i32
        %dma_start3A_363 = tpu.memref_slice %arg3[%dma_start3A_361, %dma_start3A_362] : memref<1025x512xf32, #tpu.memory_space<hbm>> -> memref<1025x512xf32, #tpu.memory_space<hbm>>
        tpu.enqueue_indirect_dma source(%dma_start3A_363 : memref<1025x512xf32, #tpu.memory_space<hbm>>) target(%dma_start3A_357 : memref<64x512xf32, #tpu.memory_space<vmem>>) offsets(%dma_start3A_360 : memref<64xi32, #tpu.memory_space<vmem>>) semaphore(%arg9 : memref<!tpu.dma_semaphore, #tpu.memory_space<semaphore_mem>>)
      } else {
      }
    }
    %scan3A_43 = arith.constant 44 : i32
    %dma_wait3A = arith.constant 0 : i32
    %dma_wait3A_44 = arith.constant 0 : i32
    %dma_wait3A_45 = arith.constant 0 : i32
    %dma_wait3A_46 = tpu.memref_slice %arg6[%dma_wait3A, %dma_wait3A_44, %dma_wait3A_45] : memref<3x64x512xf32, #tpu.memory_space<vmem>> -> memref<1x64x512xf32, #tpu.memory_space<vmem>>
    %dma_wait3A_47 = tpu.memref_squeeze %dma_wait3A_46 : memref<1x64x512xf32, #tpu.memory_space<vmem>> -> memref<64x512xf32, #tpu.memory_space<vmem>>
    %dma_wait3A_48 = arith.constant 0 : i32
    %dma_wait3A_49 = arith.constant 0 : i32
    %dma_wait3A_50 = tpu.memref_slice %arg3[%dma_wait3A_48, %dma_wait3A_49] : memref<1025x512xf32, #tpu.memory_space<hbm>> -> memref<64x512xf32, #tpu.memory_space<hbm>>
    %dma_wait3A_51 = arith.constant 0 : i32
    %dma_wait3A_52 = arith.constant 0 : i32
    %dma_wait3A_53 = tpu.memref_slice %arg6[%dma_wait3A, %dma_wait3A_51, %dma_wait3A_52] : memref<3x64x512xf32, #tpu.memory_space<vmem>> -> memref<1x64x512xf32, #tpu.memory_space<vmem>>
    %dma_wait3A_54 = tpu.memref_squeeze %dma_wait3A_53 : memref<1x64x512xf32, #tpu.memory_space<vmem>> -> memref<64x512xf32, #tpu.memory_space<vmem>>
    %dma_wait3A_55 = arith.constant 0 : i32
    %dma_wait3A_56 = arith.constant 0 : i32
    %dma_wait3A_57 = tpu.memref_slice %arg3[%dma_wait3A_55, %dma_wait3A_56] : memref<1025x512xf32, #tpu.memory_space<hbm>> -> memref<64x512xf32, #tpu.memory_space<hbm>>
    tpu.wait_dma2 semaphore(%arg10 : memref<!tpu.dma_semaphore, #tpu.memory_space<semaphore_mem>>) src(%dma_wait3A_57 : memref<64x512xf32, #tpu.memory_space<hbm>>) dst(%dma_wait3A_54 : memref<64x512xf32, #tpu.memory_space<vmem>>)
    %dma_wait3A_58 = arith.constant 1 : i32
    %dma_wait3A_59 = arith.constant 0 : i32
    %dma_wait3A_60 = arith.constant 0 : i32
    %dma_wait3A_61 = tpu.memref_slice %arg6[%dma_wait3A_58, %dma_wait3A_59, %dma_wait3A_60] : memref<3x64x512xf32, #tpu.memory_space<vmem>> -> memref<1x64x512xf32, #tpu.memory_space<vmem>>
    %dma_wait3A_62 = tpu.memref_squeeze %dma_wait3A_61 : memref<1x64x512xf32, #tpu.memory_space<vmem>> -> memref<64x512xf32, #tpu.memory_space<vmem>>
    %dma_wait3A_63 = arith.constant 0 : i32
    %dma_wait3A_64 = arith.constant 0 : i32
    %dma_wait3A_65 = tpu.memref_slice %arg3[%dma_wait3A_63, %dma_wait3A_64] : memref<1025x512xf32, #tpu.memory_space<hbm>> -> memref<64x512xf32, #tpu.memory_space<hbm>>
    %dma_wait3A_66 = arith.constant 0 : i32
    %dma_wait3A_67 = arith.constant 0 : i32
    %dma_wait3A_68 = tpu.memref_slice %arg6[%dma_wait3A_58, %dma_wait3A_66, %dma_wait3A_67] : memref<3x64x512xf32, #tpu.memory_space<vmem>> -> memref<1x64x512xf32, #tpu.memory_space<vmem>>
    %dma_wait3A_69 = tpu.memref_squeeze %dma_wait3A_68 : memref<1x64x512xf32, #tpu.memory_space<vmem>> -> memref<64x512xf32, #tpu.memory_space<vmem>>
    %dma_wait3A_70 = arith.constant 0 : i32
    %dma_wait3A_71 = arith.constant 0 : i32
    %dma_wait3A_72 = tpu.memref_slice %arg3[%dma_wait3A_70, %dma_wait3A_71] : memref<1025x512xf32, #tpu.memory_space<hbm>> -> memref<64x512xf32, #tpu.memory_space<hbm>>
    tpu.wait_dma2 semaphore(%arg11 : memref<!tpu.dma_semaphore, #tpu.memory_space<semaphore_mem>>) src(%dma_wait3A_72 : memref<64x512xf32, #tpu.memory_space<hbm>>) dst(%dma_wait3A_69 : memref<64x512xf32, #tpu.memory_space<vmem>>)
    %dma_wait3A_73 = arith.constant 2 : i32
    %dma_wait3A_74 = arith.constant 0 : i32
    %dma_wait3A_75 = arith.constant 0 : i32
    %dma_wait3A_76 = tpu.memref_slice %arg6[%dma_wait3A_73, %dma_wait3A_74, %dma_wait3A_75] : memref<3x64x512xf32, #tpu.memory_space<vmem>> -> memref<1x64x512xf32, #tpu.memory_space<vmem>>
    %dma_wait3A_77 = tpu.memref_squeeze %dma_wait3A_76 : memref<1x64x512xf32, #tpu.memory_space<vmem>> -> memref<64x512xf32, #tpu.memory_space<vmem>>
    %dma_wait3A_78 = arith.constant 0 : i32
    %dma_wait3A_79 = arith.constant 0 : i32
    %dma_wait3A_80 = tpu.memref_slice %arg3[%dma_wait3A_78, %dma_wait3A_79] : memref<1025x512xf32, #tpu.memory_space<hbm>> -> memref<64x512xf32, #tpu.memory_space<hbm>>
    %dma_wait3A_81 = arith.constant 0 : i32
    %dma_wait3A_82 = arith.constant 0 : i32
    %dma_wait3A_83 = tpu.memref_slice %arg6[%dma_wait3A_73, %dma_wait3A_81, %dma_wait3A_82] : memref<3x64x512xf32, #tpu.memory_space<vmem>> -> memref<1x64x512xf32, #tpu.memory_space<vmem>>
    %dma_wait3A_84 = tpu.memref_squeeze %dma_wait3A_83 : memref<1x64x512xf32, #tpu.memory_space<vmem>> -> memref<64x512xf32, #tpu.memory_space<vmem>>
    %dma_wait3A_85 = arith.constant 0 : i32
    %dma_wait3A_86 = arith.constant 0 : i32
    %dma_wait3A_87 = tpu.memref_slice %arg3[%dma_wait3A_85, %dma_wait3A_86] : memref<1025x512xf32, #tpu.memory_space<hbm>> -> memref<64x512xf32, #tpu.memory_space<hbm>>
    tpu.wait_dma2 semaphore(%arg12 : memref<!tpu.dma_semaphore, #tpu.memory_space<semaphore_mem>>) src(%dma_wait3A_87 : memref<64x512xf32, #tpu.memory_space<hbm>>) dst(%dma_wait3A_84 : memref<64x512xf32, #tpu.memory_space<vmem>>)
    return
  }
}

</mosaic_0001>

<sc_bundles>
// kernel: kernel.3.cloned.1.call-start
scs
__scs_entry_jumppad:
0x0: {  	(pc) =	sbr.rel $0x88, $3  }
0x1: {  	(tag) =	ssettag $0x0;
	lr =	simm.s32 $0x1  }
0x2: {  	[smem:$0x3F9F] =	sst lr;
	_ =	strace $0xD0000000  }
0x3: {  	_ = 	snop  }
0x4: {  	_ = 	snop  }
0x5: {  	_ = 	snop  }
0x6: {  	_ = 	snop  }
0x7: {  	_ = 	snop  }
__scs_overlays_trampoline_lowered:
0x8: {  	[smem:$0x3FAE] =	sst s0  }
0x9: {  	[smem:$0x3FAF] =	sst s1  }
0xa: {  	[smem:$0x3FB0] =	sst s2  }
0xb: {  	[smem:$0x3FB1] =	sst s3  }
0xc: {  	[smem:$0x3FB2] =	sst s4  }
0xd: {  	[smem:$0x3FB3] =	sst s5  }
0xe: {  	[smem:$0x3FB4] =	sst s6  }
0xf: {  	[smem:$0x3FB5] =	sst s7  }
0x10: {  	[smem:$0x3FB6] =	sst s8  }
0x11: {  	[smem:$0x3FB7] =	sst s9;
	s0 =	simm.s32 @!p0 $0x0  }
0x12: {  	s1 =	sld [smem:$0x3F9D];
	s0 =	simm.s32 @p0 $0x1  }
0x13: {  	[smem:$0x3FB8] =	sst s0;
	s0 =	simm.s32 @!p1 $0x0  }
0x14: {  	s2 =	sld [smem:$0x3F9C];
	s0 =	simm.s32 @p1 $0x1  }
0x15: {  	[smem:$0x3FB9] =	sst s0;
	s0 =	simm.s32 @!p2 $0x0  }
0x16: {  	s3 =	sld [smem:$0x3FDB];
	s0 =	simm.s32 @p2 $0x1  }
0x17: {  	s4 =	simm.s32 $0x1BF5;
	[smem:$0x3FBB] =	sst s0  }
0x18: {  	s0 =	sld [smem:$0x3F9E];
	_ =	swait.ge [sflag:s4], $0x0  }
0x19: {  	s7 =	sld [smem:$0x3F9F]  }
0x1a: {  	s8 =	sadd.s32 $0xFFFFE003, lr  }
0x1b: {  	s9 =	sadd.s32 $0xFFFFFEF7, lr;
	s5 =	simm.s32 $0xFFFFFFFF;
	p2 =	slt.u32 s8, $0xFFFFF086  }
0x1c: {  	p1 =	slt.u32 s9, $0xF7A;
	s5 =	simm.s32 @!p2 $0x0  }
0x1d: {  	s5 =	simm.s32 @p1 $0x1;
	p0 =	seq.s32 s7, s2  }
0x1e: {  	s7 =	smul.u32 @!p0 $0xF7A, s2;
	p2 =	seq.s32 @!p0 s5, $0x0  }
0x1f: {  	s9 =	smul.u32 $0xF7A, s1;
	s8 =	simm.s32 @!p0 $0x1BF5;
	p2 =	por !p2, p0  }
0x20: {  	[sflag:s8] =	ssyncset.s32 @!p0 $0xFFFFF086;
	s6 =	sadd.s32 @!p0 s3, s7;
	s7 =	simm.s32 @!p0 $0x108  }
0x21: {  	s3 =	sadd.s32 s3, s9;
	s6 =	sadd.s32 @!p0 $0x88, s6;
	s7 =	simm.s32 @p2 $0x1082  }
0x22: {  	[simem:s7], [sflag:s8] =	dma.local @!p0 [hbm:s6], $0xF7A  }
0x23: {  	s9 =	sor.u32 $0xD0000000, s2;
	s6 =	simm.s32 $0x108;
	_ =	swait.ge @!p0 [sflag:s8], $0x0  }
0x24: {  	s3 =	sadd.s32 $0x88, s3;
	s6 =	simm.s32 @!p1 $0x1082;
	[sflag:s4] =	ssyncset.s32 $0xFFFFF086  }
0x25: {  	[simem:s6], [sflag:s4] =	dma.local [hbm:s3], $0xF7A  }
0x26: {  	[smem:$0x3F9F] =	sst s1;
	(tag) =	ssettag s2;
	_ =	strace s9  }
0x27: {  	s1 =	sld [smem:$0x3FAF]  }
0x28: {  	s2 =	sld [smem:$0x3FB0]  }
0x29: {  	s4 =	sld [smem:$0x3FB2]  }
0x2a: {  	p0 =	seq.s32 s5, $0x0;
	s5 =	sld [smem:$0x3FB3]  }
0x2b: {  	s6 =	sld [smem:$0x3FB4]  }
0x2c: {  	s7 =	sld [smem:$0x3FB5]  }
0x2d: {  	s3 =	simm.s32 $0x108;
	s8 =	sld [smem:$0x3FB6]  }
0x2e: {  	s3 =	simm.s32 @!p0 $0x1082;
	s9 =	sld [smem:$0x3FB7]  }
0x2f: {  	lr =	sadd.s32 s0, s3;
	s0 =	sld [smem:$0x3FAE]  }
0x30: {  	s3 =	sld [smem:$0x3FB1]  }
0x31: {  	[smem:$0x3FBA] =	sst s10  }
0x32: {  	s10 =	sld [smem:$0x3FB8];
	_ =	sdelay $0x3  }
0x33: {  	p0 =	seq.s32 s10, $0x1;
	s10 =	sld [smem:$0x3FBA];
	_ =	sdelay $0x3  }
0x34: {  	[smem:$0x3FBA] =	sst s10  }
0x35: {  	s10 =	sld [smem:$0x3FB9];
	_ =	sdelay $0x3  }
0x36: {  	p1 =	seq.s32 s10, $0x1;
	s10 =	sld [smem:$0x3FBA];
	_ =	sdelay $0x3  }
0x37: {  	[smem:$0x3FBA] =	sst s10  }
0x38: {  	s10 =	sld [smem:$0x3FBB]  }
0x39: {  	_ = 	snop;
	(pc) =	sbr.ind lr, $3  }
0x3a: {  	_ = 	snop  }
0x3b: {  	_ = 	snop  }
0x3c: {  	p2 =	seq.s32 s10, $0x1;
	s10 =	sld [smem:$0x3FBA]  }
0x3d: {  	_ =	shalt  }
0x3e: {  	_ =	shalt  }
0x3f: {  	_ =	shalt  }
0x40: {  	_ =	shalt  }
0x41: {  	_ =	shalt  }
0x42: {  	_ =	shalt  }
0x43: {  	_ =	shalt  }
0x44: {  	_ =	shalt  }
0x45: {  	_ =	shalt  }
0x46: {  	_ =	shalt  }
0x47: {  	_ =	shalt  }
0x48: {  	_ =	shalt  }
0x49: {  	_ =	shalt  }
0x4a: {  	_ =	shalt  }
0x4b: {  	_ =	shalt  }
0x4c: {  	_ =	shalt  }
0x4d: {  	_ =	shalt  }
0x4e: {  	_ =	shalt  }
0x4f: {  	_ =	shalt  }
0x50: {  	_ =	shalt  }
0x51: {  	_ =	shalt  }
0x52: {  	_ =	shalt  }
0x53: {  	_ =	shalt  }
0x54: {  	_ =	shalt  }
0x55: {  	_ =	shalt  }
0x56: {  	_ =	shalt  }
0x57: {  	_ =	shalt  }
0x58: {  	_ =	shalt  }
0x59: {  	_ =	shalt  }
0x5a: {  	_ =	shalt  }
0x5b: {  	_ =	shalt  }
0x5c: {  	_ =	shalt  }
0x5d: {  	_ =	shalt  }
0x5e: {  	_ =	shalt  }
0x5f: {  	_ =	shalt  }
0x60: {  	_ =	shalt  }
0x61: {  	_ =	shalt  }
0x62: {  	_ =	shalt  }
0x63: {  	_ =	shalt  }
0x64: {  	_ =	shalt  }
0x65: {  	_ =	shalt  }
0x66: {  	_ =	shalt  }
0x67: {  	_ =	shalt  }
0x68: {  	_ =	shalt  }
0x69: {  	_ =	shalt  }
0x6a: {  	_ =	shalt  }
0x6b: {  	_ =	shalt  }
0x6c: {  	_ =	shalt  }
0x6d: {  	_ =	shalt  }
0x6e: {  	_ =	shalt  }
0x6f: {  	_ =	shalt  }
0x70: {  	_ =	shalt  }
0x71: {  	_ =	shalt  }
0x72: {  	_ =	shalt  }
0x73: {  	_ =	shalt  }
0x74: {  	_ =	shalt  }
0x75: {  	_ =	shalt  }
0x76: {  	_ =	shalt  }
0x77: {  	_ =	shalt  }
0x78: {  	_ =	shalt  }
0x79: {  	_ =	shalt  }
0x7a: {  	_ =	shalt  }
0x7b: {  	_ =	shalt  }
0x7c: {  	_ =	shalt  }
0x7d: {  	_ =	shalt  }
0x7e: {  	_ =	shalt  }
0x7f: {  	_ =	shalt  }
0x80: {  	_ =	shalt  }
0x81: {  	_ =	shalt  }
0x82: {  	_ =	shalt  }
0x83: {  	_ =	shalt  }
0x84: {  	_ =	shalt  }
0x85: {  	_ =	shalt  }
0x86: {  	_ =	shalt  }
0x87: {  	_ =	shalt  }
.Lfunc_end0:
.L_simem_size_0:
called_computation_lowered:
.L_overlay_start_0:
0x88: {  	s2 =	sld [smem:$0x3FD9]  }
0x89: {  	s3 =	sld [smem:$0x3FFE];
	_ =	sdelay $0x1  }
0x8a: {  	s1 =	srdreg.scid  }
0x8b: {  	s0 =	sand.u32 $0x1, s1  }
0x8c: {  	s17 =	sshll.u32 s0, $0xA;
	s2 =	sadd.s32 s3, s2  }
0x8d: {  	s2 =	sadd.s32 s2, s17  }
0x8e: {  	[smem:$0x3FC6] =	sst s2  }
0x8f: {  	_ = 	snop  }
0x90: {  	s2 =	sld [smem:$0x3FC8]  }
0x91: {  	s18 =	sld [smem:$0x3FD0];
	(tm) =	ssettm $0x1  }
0x92: {  	s4 =	sld [smem:$0x3FFB];
	_ =	sdelay $0x3  }
0x93: {  	_ =	strace s4  }
0x94: {  	s4 =	sld [smem:$0x3FFC];
	_ =	sdelay $0x3  }
0x95: {  	_ =	strace s4  }
0x96: {  	s4 =	sld [smem:$0x3FFD];
	_ =	sdelay $0x3  }
0x97: {  	_ =	strace s4  }
0x98: {  	_ =	strace $0x8FFFFFFF  }
0x99: {  	s19 =	sld [smem:$0x3FDB];
	_ =	sdelay $0x1  }
0x9a: {  	s5 =	simm.s32 $_scs_section_size  }
0x9b: {  	s6 =	simm.s32 $_size__tile_overlayer_lowered;
	s7 =	simm.s32 $_tile_overlayer_lowered  }
0x9c: {  	s22 =	simm.s32 $0x1BFF;
	s21 =	sshll.u32 s7, $0x1;
	s4 =	sadd.s32 s5, s19  }
0x9d: {  	s8 =	simm.s32 $0x0;
	s20 =	sshll.u32 s6, $0x1;
	s6 =	sadd.s32 s21, s4  }
0x9e: {  	[timem:s8], [sflag:s22] =	dma.local [hbm:s6], s20  }
0x9f: {  	_ =	swait.ge [sflag:s22], s20  }
0xa0: {  	s5 =	ssub.s32 $0x0, s20;
	[sflag:s22] =	ssyncset.done $0x0  }
0xa1: {  	[sflag:s22] =	ssyncadd.s32 s5;
	_ =	sdelay $0x1  }
0xa2: {  	s23 =	simm.s32 $0x1B8B  }
0xa3: {  	_ =	swait.ge [sflag:s23], $0x1  }
0xa4: {  	[sflag:s23] =	ssyncset.done $0x0  }
0xa5: {  	s25 =	simm.s32 $0x1B8E;
	s24 =	sld [smem:$0x3FFE];
	[sflag:s23] =	ssyncadd.s32 $0xFFFFFFFF  }
0xa6: {  	s26 =	simm.s32 $execute0_lowered;
	[smem:$0x3FD2] =	sst s25  }
0xa7: {  	s6 =	sshll.u32 s26, $0x1;
	_ =	strace $0x80000046;
	[dreg:$0x1] =	wrdreg $0xFFFFFFFF  }
0xa8: {  	s28 =	simm.s32 $_size_execute0_lowered;
	s4 =	sadd.s32 s4, s6;
	[dreg:$0x0] =	wrdreg $0x0  }
0xa9: {  	s6 =	sshll.u32 s28, $0x1;
	[dreg:$0x2] =	wrdreg s4  }
0xaa: {  	[dreg:$0x3] =	wrdreg s6  }
0xab: {  	[dreg:$0x4] =	wrdreg $0xC0  }
0xac: {  	_ =	task [dreg:s8], $0x5FFFF  }
0xad: {  	[dreg:$0x1] =	wrdreg $0xFFFFFFFF  }
0xae: {  	[dreg:$0x0] =	wrdreg $0x60  }
0xaf: {  	[dreg:$0x2] =	wrdreg s24  }
0xb0: {  	[dreg:$0x3] =	wrdreg s2  }
0xb1: {  	[dreg:$0x4] =	wrdreg s18  }
0xb2: {  	[dreg:$0x5] =	wrdreg $0x9  }
0xb3: {  	_ =	task.clear_ibuf [dreg:s8], $0x6FFFF;
	_ =	strace $0x90000046  }
0xb4: {  	s29 =	simm.s32 $0x9;
	_ =	strace $0x80000048  }
0xb5: {  	_ =	swait.ge [sflag:s29], $0x1  }
0xb6: {  	[sflag:s29] =	ssyncadd.s32 $0xFFFFFFFF  }
0xb7: {  	_ =	strace $0x90000048  }
0xb8: {  	_ =	sfence  }
0xb9: {  	s30 =	sld [smem:$0x0];
	_ =	sdelay $0x2  }
0xba: {  	s31 =	sshll.u32 s1, $0xD;
	s1 =	sshrl.u32 s1, $0x2  }
0xbb: {  	s3 =	sand.u32 $0x4000, s31;
	s1 =	sadd.s32 s1, s30  }
0xbc: {  	s0 =	sor.u32 s3, s0;
	s1 =	sshll.u32 s1, $0x11  }
0xbd: {  	s0 =	sor.u32 s1, s0  }
0xbe: {  	s0 =	sadd.s32 $0x8F2B, s0  }
0xbf: {  	[sflag:s0] =	ssyncadd.remote.s32 $0x1  }
0xc0: {  	_ =	sfence.sel $0xFFFF  }
0xc1: {  	[dreg:$0x0] =	wrdreg $0xFFFFFFFF;
	(pc) =	sbr.abs _section_cstart, $3  }
0xc2: {  	[dreg:$0x1] =	wrdreg $0xFFFFFFFF  }
0xc3: {  	_ =	task.clear_ibuf [dreg:s8], $0x2FFFF;
	_ =	strace $0x9FFFFFFF  }
0xc4: {  	(tm) =	ssettm $0x7FFFFFFF  }
0xc5: {  	_ =	shalt  }
tec
execute0_lowered:
.L_overlay_start_1:
0x0: {  	(tag) =	ssettag $0x1  }
0x1: {  	s0 =	rddreg [dreg:$0x0]  }
0x2: {  	s2 =	rddreg [dreg:$0x1];
	s1 =	srdreg.scid  }
0x3: {  	s4 =	stileid.u32;
	s3 =	rddreg [dreg:$0x2]  }
0x4: {  	s5 =	simm.s32 $0x0;
	s20 =	simm.s32 $0x15200;
	s21 =	simm.s32 $0x15A00  }
0x5: {  	s22 =	simm.s32 $0x16200;
	s23 =	simm.s32 $0x16A00;
	s24 =	simm.s32 $0x17200  }
0x6: {  	s25 =	simm.s32 $0x17A00;
	s28 =	simm.s32 $0x18A00;
	s29 =	simm.s32 $0x19200  }
0x7: {  	s30 =	simm.s32 $0x19A00;
	s31 =	simm.s32 $0x1A200;
	s9 =	simm.s32 $0x4  }
0x8: {  	s10 =	simm.s32 $0x5;
	s1 =	sand.u32 $0x1, s1;
	s4 =	sshll.u32 s4, $0x1  }
0x9: {  	s11 =	simm.s32 $0x6;
	s13 =	simm.s32 $0x0;
	s4 =	sor.u32 s1, s4  }
0xa: {  	[smem:$0x7FF] =	sst s5;
	s1 =	ssub.s32 $0x2, s1;
	s6 =	smul.u32 $0x840, s4  }
.Ltmp0:
0xb: {  	_ =	strace $0x80000047;
	s7 =	sshrl.u32 s1, $0x1;
	(pc) =	sbr.rel .LBB2_1-.Ltmp0, $4  }
0xc: {  	s8 =	ssub.s32 $0x401, s4;
	s1 =	ssub.s32 s1, s7;
	s7 =	sadd.s32 $0x100, s2  }
0xd: {  	v2 =	vlaneseq.u32;
	s0 =	sadd.s32 s6, s0;
	s26 =	smax.u32 s1, $0x1;
	s1 =	simm.s32 $0x1AA00  }
0xe: {  	vm0 =	vmmov $0xffff;
	v1 =	vshrl.u32 v2, $0x3;
	s6 =	simm.s32 $0x1BA00;
	s0 =	sadd.s32 $0x400, s0;
	[dreg:$0x5] =	wrdreg s26  }
0xf: {  	v0 =	vand.u32 $0x7, v2;
	v2 =	vor.u32 $0x8, v2;
	v1 =	vmul.u32 $0x8, v1;
	s26 =	simm.s32 $0x18200;
	[dreg:$0x4] =	wrdreg s0;
	s0 =	simm.s32 $0x1B200  }
.LBB2_9:
0x10: {  	_ =	swait.ge [sflag:s9], $0x8000  }
0x11: {  	[sflag:s9] =	ssyncset.done $0x0  }
0x12: {  	[sflag:s9] =	ssyncadd.s32 $0xFFFF8000  }
0x13: {  	_ =	swait.ge [sflag:s10], $0x8000  }
0x14: {  	[sflag:s10] =	ssyncset.done $0x0  }
0x15: {  	[sflag:s10] =	ssyncadd.s32 $0xFFFF8000  }
0x16: {  	_ =	swait.ge [sflag:s11], $0x8000  }
0x17: {  	s13 =	rddreg [dreg:$0x6]  }
0x18: {  	s12 =	rddreg [dreg:$0x5];
	s13 =	sadd.s32 $0x1, s13  }
0x19: {  	p0 =	sne.s32 s13, s12  }
.Ltmp1:
0x1a: {  	_ = 	snop;
	(pc) =	sbr.rel @!p0 .LBB2_10-.Ltmp1, $3  }
0x1b: {  	_ =	sdelay $0x1  }
0x1c: {  	[sflag:s11] =	ssyncset.done $0x0  }
0x1d: {  	[sflag:s11] =	ssyncadd.s32 $0xFFFF8000  }
.LBB2_1:
0x1e: {  	[dreg:$0x6] =	wrdreg s13  }
0x1f: {  	s12 =	rddreg [dreg:$0x4];
	s13 =	simm.s32 $0x7  }
0x20: {  	[tilespmem:s5], [sflag:$0x7] =	stream.linear.gather [hbm4b:s12+s5], $0x4200, $0x38;
	[tilespmem:$0x1C200] =	vst v63  }
0x21: {  	_ =	swait.ge [sflag:s13], $0x4200  }
0x22: {  	[sflag:s13] =	ssyncset.done $0x0  }
0x23: {  	[sflag:s13] =	ssyncadd.s32 $0xFFFFBE00  }
0x24: {  	v3 =	vld [tilespmem:$0x0];
	_ =	sdelay $0x4  }
0x25: {  	v4 =	vshll.u32 v3, $0x2  }
0x26: {  	v3 =	vand.u32 $0x7, v3;
	v4 =	vand.u32 $0xFFFFFFE0, v4  }
0x27: {  	v3 =	vor.u32 v3, v4  }
0x28: {  	v4 =	vperm.xlane v3, v0;
	_ =	sdelay $0x1  }
0x29: {  	v4 =	vadd.s32 v1, v4;
	_ =	sdelay $0x1  }
0x2a: {  	v3 =	vperm.xlane v3, v2;
	_ =	sdelay $0x1  }
0x2b: {  	s14 =	simm.s32 $0x4200;
	v3 =	vadd.s32 v1, v3  }
0x2c: {  	[tilespmem:s14], [sflag:$0x1] =	stream.indirect_vreg.gather [hbm4b:s2+s5], $0x80, v4, vm0, $0xb8;
	[tilespmem:$0x1C200] =	vst v63  }
0x2d: {  	s15 =	simm.s32 $0x4A00  }
0x2e: {  	[tilespmem:s15], [sflag:$0x1] =	stream.indirect_vreg.gather [hbm4b:s7+s5], $0x80, v4, vm0, $0xb8;
	[tilespmem:$0x1C200] =	vst v63  }
0x2f: {  	s16 =	simm.s32 $0x5200  }
0x30: {  	[tilespmem:s16], [sflag:$0x1] =	stream.indirect_vreg.gather [hbm4b:s2+s5], $0x80, v3, vm0, $0xb8;
	[tilespmem:$0x1C200] =	vst v63  }
0x31: {  	s17 =	simm.s32 $0x5A00  }
0x32: {  	[tilespmem:s17], [sflag:$0x1] =	stream.indirect_vreg.gather [hbm4b:s7+s5], $0x80, v3, vm0, $0xb8;
	[tilespmem:$0x1C200] =	vst v63  }
0x33: {  	v3 =	vld [tilespmem:$0x10];
	_ =	sdelay $0x4  }
0x34: {  	v53 =	vshll.u32 v3, $0x2  }
0x35: {  	v3 =	vand.u32 $0x7, v3;
	v4 =	vand.u32 $0xFFFFFFE0, v53  }
0x36: {  	v3 =	vor.u32 v3, v4  }
0x37: {  	v4 =	vperm.xlane v3, v0;
	_ =	sdelay $0x1  }
0x38: {  	v4 =	vadd.s32 v1, v4;
	_ =	sdelay $0x1  }
0x39: {  	v3 =	vperm.xlane v3, v2;
	_ =	sdelay $0x1  }
0x3a: {  	s18 =	simm.s32 $0x6200;
	v3 =	vadd.s32 v1, v3  }
0x3b: {  	[tilespmem:s18], [sflag:$0x1] =	stream.indirect_vreg.gather [hbm4b:s2+s5], $0x80, v4, vm0, $0xb8;
	[tilespmem:$0x1C200] =	vst v63  }
0x3c: {  	s19 =	simm.s32 $0x6A00  }
0x3d: {  	[tilespmem:s19], [sflag:$0x1] =	stream.indirect_vreg.gather [hbm4b:s7+s5], $0x80, v4, vm0, $0xb8;
	[tilespmem:$0x1C200] =	vst v63  }
0x3e: {  	s13 =	simm.s32 $0x7200  }
0x3f: {  	[tilespmem:s13], [sflag:$0x1] =	stream.indirect_vreg.gather [hbm4b:s2+s5], $0x80, v3, vm0, $0xb8;
	[tilespmem:$0x1C200] =	vst v63  }
0x40: {  	s14 =	simm.s32 $0x7A00  }
0x41: {  	[tilespmem:s14], [sflag:$0x1] =	stream.indirect_vreg.gather [hbm4b:s7+s5], $0x80, v3, vm0, $0xb8;
	[tilespmem:$0x1C200] =	vst v63  }
0x42: {  	v3 =	vld [tilespmem:$0x20];
	_ =	sdelay $0x4  }
0x43: {  	v54 =	vshll.u32 v3, $0x2  }
0x44: {  	v3 =	vand.u32 $0x7, v3;
	v4 =	vand.u32 $0xFFFFFFE0, v54  }
0x45: {  	v3 =	vor.u32 v3, v4  }
0x46: {  	v4 =	vperm.xlane v3, v0;
	_ =	sdelay $0x1  }
0x47: {  	v4 =	vadd.s32 v1, v4;
	_ =	sdelay $0x1  }
0x48: {  	v3 =	vperm.xlane v3, v2;
	_ =	sdelay $0x1  }
0x49: {  	s15 =	simm.s32 $0x8200;
	v3 =	vadd.s32 v1, v3  }
0x4a: {  	[tilespmem:s15], [sflag:$0x1] =	stream.indirect_vreg.gather [hbm4b:s2+s5], $0x80, v4, vm0, $0xb8;
	[tilespmem:$0x1C200] =	vst v63  }
0x4b: {  	s16 =	simm.s32 $0x8A00  }
0x4c: {  	[tilespmem:s16], [sflag:$0x1] =	stream.indirect_vreg.gather [hbm4b:s7+s5], $0x80, v4, vm0, $0xb8;
	[tilespmem:$0x1C200] =	vst v63  }
0x4d: {  	s17 =	simm.s32 $0x9200  }
0x4e: {  	[tilespmem:s17], [sflag:$0x1] =	stream.indirect_vreg.gather [hbm4b:s2+s5], $0x80, v3, vm0, $0xb8;
	[tilespmem:$0x1C200] =	vst v63  }
0x4f: {  	s18 =	simm.s32 $0x9A00  }
0x50: {  	[tilespmem:s18], [sflag:$0x1] =	stream.indirect_vreg.gather [hbm4b:s7+s5], $0x80, v3, vm0, $0xb8;
	[tilespmem:$0x1C200] =	vst v63  }
0x51: {  	v3 =	vld [tilespmem:$0x30];
	_ =	sdelay $0x4  }
0x52: {  	v55 =	vshll.u32 v3, $0x2  }
0x53: {  	v3 =	vand.u32 $0x7, v3;
	v4 =	vand.u32 $0xFFFFFFE0, v55  }
0x54: {  	v3 =	vor.u32 v3, v4  }
0x55: {  	v4 =	vperm.xlane v3, v0;
	_ =	sdelay $0x1  }
0x56: {  	v4 =	vadd.s32 v1, v4;
	_ =	sdelay $0x1  }
0x57: {  	v3 =	vperm.xlane v3, v2;
	_ =	sdelay $0x1  }
0x58: {  	s19 =	simm.s32 $0xA200;
	v3 =	vadd.s32 v1, v3  }
0x59: {  	[tilespmem:s19], [sflag:$0x1] =	stream.indirect_vreg.gather [hbm4b:s2+s5], $0x80, v4, vm0, $0xb8;
	[tilespmem:$0x1C200] =	vst v63  }
0x5a: {  	s13 =	simm.s32 $0xAA00  }
0x5b: {  	[tilespmem:s13], [sflag:$0x1] =	stream.indirect_vreg.gather [hbm4b:s7+s5], $0x80, v4, vm0, $0xb8;
	[tilespmem:$0x1C200] =	vst v63  }
0x5c: {  	s14 =	simm.s32 $0xB200  }
0x5d: {  	[tilespmem:s14], [sflag:$0x1] =	stream.indirect_vreg.gather [hbm4b:s2+s5], $0x80, v3, vm0, $0xb8;
	[tilespmem:$0x1C200] =	vst v63  }
0x5e: {  	s15 =	simm.s32 $0xBA00  }
0x5f: {  	[tilespmem:s15], [sflag:$0x1] =	stream.indirect_vreg.gather [hbm4b:s7+s5], $0x80, v3, vm0, $0xb8;
	[tilespmem:$0x1C200] =	vst v63  }
0x60: {  	v3 =	vld [tilespmem:$0x80];
	_ =	sdelay $0x4  }
0x61: {  	v56 =	vshll.u32 v3, $0x2  }
0x62: {  	v3 =	vand.u32 $0x7, v3;
	v4 =	vand.u32 $0xFFFFFFE0, v56  }
0x63: {  	v3 =	vor.u32 v3, v4  }
0x64: {  	v4 =	vperm.xlane v3, v0;
	_ =	sdelay $0x1  }
0x65: {  	v4 =	vadd.s32 v1, v4;
	_ =	sdelay $0x1  }
0x66: {  	v3 =	vperm.xlane v3, v2;
	_ =	sdelay $0x1  }
0x67: {  	s16 =	simm.s32 $0xC200;
	v3 =	vadd.s32 v1, v3  }
0x68: {  	[tilespmem:s16], [sflag:$0x2] =	stream.indirect_vreg.gather [hbm4b:s2+s5], $0x80, v4, vm0, $0xb8;
	[tilespmem:$0x1C200] =	vst v63  }
0x69: {  	s17 =	simm.s32 $0xCA00  }
0x6a: {  	[tilespmem:s17], [sflag:$0x2] =	stream.indirect_vreg.gather [hbm4b:s7+s5], $0x80, v4, vm0, $0xb8;
	[tilespmem:$0x1C200] =	vst v63  }
0x6b: {  	s18 =	simm.s32 $0xD200  }
0x6c: {  	[tilespmem:s18], [sflag:$0x2] =	stream.indirect_vreg.gather [hbm4b:s2+s5], $0x80, v3, vm0, $0xb8;
	[tilespmem:$0x1C200] =	vst v63  }
0x6d: {  	s19 =	simm.s32 $0xDA00  }
0x6e: {  	[tilespmem:s19], [sflag:$0x2] =	stream.indirect_vreg.gather [hbm4b:s7+s5], $0x80, v3, vm0, $0xb8;
	[tilespmem:$0x1C200] =	vst v63  }
0x6f: {  	v3 =	vld [tilespmem:$0x90];
	_ =	sdelay $0x4  }
0x70: {  	v57 =	vshll.u32 v3, $0x2  }
0x71: {  	v3 =	vand.u32 $0x7, v3;
	v4 =	vand.u32 $0xFFFFFFE0, v57  }
0x72: {  	v3 =	vor.u32 v3, v4  }
0x73: {  	v4 =	vperm.xlane v3, v0;
	_ =	sdelay $0x1  }
0x74: {  	v4 =	vadd.s32 v1, v4;
	_ =	sdelay $0x1  }
0x75: {  	v3 =	vperm.xlane v3, v2;
	_ =	sdelay $0x1  }
0x76: {  	s13 =	simm.s32 $0xE200;
	v3 =	vadd.s32 v1, v3  }
0x77: {  	[tilespmem:s13], [sflag:$0x2] =	stream.indirect_vreg.gather [hbm4b:s2+s5], $0x80, v4, vm0, $0xb8;
	[tilespmem:$0x1C200] =	vst v63  }
0x78: {  	s14 =	simm.s32 $0xEA00  }
0x79: {  	[tilespmem:s14], [sflag:$0x2] =	stream.indirect_vreg.gather [hbm4b:s7+s5], $0x80, v4, vm0, $0xb8;
	[tilespmem:$0x1C200] =	vst v63  }
0x7a: {  	s15 =	simm.s32 $0xF200  }
0x7b: {  	[tilespmem:s15], [sflag:$0x2] =	stream.indirect_vreg.gather [hbm4b:s2+s5], $0x80, v3, vm0, $0xb8;
	[tilespmem:$0x1C200] =	vst v63  }
0x7c: {  	s16 =	simm.s32 $0xFA00  }
0x7d: {  	[tilespmem:s16], [sflag:$0x2] =	stream.indirect_vreg.gather [hbm4b:s7+s5], $0x80, v3, vm0, $0xb8;
	[tilespmem:$0x1C200] =	vst v63  }
0x7e: {  	v3 =	vld [tilespmem:$0xA0];
	_ =	sdelay $0x4  }
0x7f: {  	v58 =	vshll.u32 v3, $0x2  }
0x80: {  	v3 =	vand.u32 $0x7, v3;
	v4 =	vand.u32 $0xFFFFFFE0, v58  }
0x81: {  	v3 =	vor.u32 v3, v4  }
0x82: {  	v4 =	vperm.xlane v3, v0;
	_ =	sdelay $0x1  }
0x83: {  	v4 =	vadd.s32 v1, v4;
	_ =	sdelay $0x1  }
0x84: {  	v3 =	vperm.xlane v3, v2;
	_ =	sdelay $0x1  }
0x85: {  	s17 =	simm.s32 $0x10200;
	v3 =	vadd.s32 v1, v3  }
0x86: {  	[tilespmem:s17], [sflag:$0x2] =	stream.indirect_vreg.gather [hbm4b:s2+s5], $0x80, v4, vm0, $0xb8;
	[tilespmem:$0x1C200] =	vst v63  }
0x87: {  	s18 =	simm.s32 $0x10A00  }
0x88: {  	[tilespmem:s18], [sflag:$0x2] =	stream.indirect_vreg.gather [hbm4b:s7+s5], $0x80, v4, vm0, $0xb8;
	[tilespmem:$0x1C200] =	vst v63  }
0x89: {  	s19 =	simm.s32 $0x11200  }
0x8a: {  	[tilespmem:s19], [sflag:$0x2] =	stream.indirect_vreg.gather [hbm4b:s2+s5], $0x80, v3, vm0, $0xb8;
	[tilespmem:$0x1C200] =	vst v63  }
0x8b: {  	s13 =	simm.s32 $0x11A00  }
0x8c: {  	[tilespmem:s13], [sflag:$0x2] =	stream.indirect_vreg.gather [hbm4b:s7+s5], $0x80, v3, vm0, $0xb8;
	[tilespmem:$0x1C200] =	vst v63  }
0x8d: {  	v3 =	vld [tilespmem:$0xB0];
	_ =	sdelay $0x4  }
0x8e: {  	v59 =	vshll.u32 v3, $0x2  }
0x8f: {  	v3 =	vand.u32 $0x7, v3;
	v4 =	vand.u32 $0xFFFFFFE0, v59  }
0x90: {  	v3 =	vor.u32 v3, v4  }
0x91: {  	v4 =	vperm.xlane v3, v0;
	_ =	sdelay $0x1  }
0x92: {  	v4 =	vadd.s32 v1, v4;
	_ =	sdelay $0x1  }
0x93: {  	v3 =	vperm.xlane v3, v2;
	_ =	sdelay $0x1  }
0x94: {  	s14 =	simm.s32 $0x12200;
	v3 =	vadd.s32 v1, v3  }
0x95: {  	[tilespmem:s14], [sflag:$0x2] =	stream.indirect_vreg.gather [hbm4b:s2+s5], $0x80, v4, vm0, $0xb8;
	[tilespmem:$0x1C200] =	vst v63  }
0x96: {  	s15 =	simm.s32 $0x12A00  }
0x97: {  	[tilespmem:s15], [sflag:$0x2] =	stream.indirect_vreg.gather [hbm4b:s7+s5], $0x80, v4, vm0, $0xb8;
	[tilespmem:$0x1C200] =	vst v63  }
0x98: {  	s16 =	simm.s32 $0x13200  }
0x99: {  	[tilespmem:s16], [sflag:$0x2] =	stream.indirect_vreg.gather [hbm4b:s2+s5], $0x80, v3, vm0, $0xb8;
	[tilespmem:$0x1C200] =	vst v63  }
0x9a: {  	s17 =	simm.s32 $0x13A00  }
0x9b: {  	[tilespmem:s17], [sflag:$0x2] =	stream.indirect_vreg.gather [hbm4b:s7+s5], $0x80, v3, vm0, $0xb8;
	[tilespmem:$0x1C200] =	vst v63  }
0x9c: {  	v3 =	vld [tilespmem:$0x100];
	_ =	sdelay $0x4  }
0x9d: {  	v60 =	vshll.u32 v3, $0x2  }
0x9e: {  	v3 =	vand.u32 $0x7, v3;
	v4 =	vand.u32 $0xFFFFFFE0, v60  }
0x9f: {  	v3 =	vor.u32 v3, v4  }
0xa0: {  	v4 =	vperm.xlane v3, v0;
	_ =	sdelay $0x1  }
0xa1: {  	v4 =	vadd.s32 v1, v4;
	_ =	sdelay $0x1  }
0xa2: {  	v3 =	vperm.xlane v3, v2;
	_ =	sdelay $0x1  }
0xa3: {  	s18 =	simm.s32 $0x14200;
	v3 =	vadd.s32 v1, v3  }
0xa4: {  	[tilespmem:s18], [sflag:$0x3] =	stream.indirect_vreg.gather [hbm4b:s2+s5], $0x80, v4, vm0, $0xb8;
	[tilespmem:$0x1C200] =	vst v63  }
0xa5: {  	s19 =	simm.s32 $0x14A00  }
0xa6: {  	[tilespmem:s19], [sflag:$0x3] =	stream.indirect_vreg.gather [hbm4b:s7+s5], $0x80, v4, vm0, $0xb8;
	[tilespmem:$0x1C200] =	vst v63  }
0xa7: {  	_ = 	snop  }
0xa8: {  	[tilespmem:s20], [sflag:$0x3] =	stream.indirect_vreg.gather [hbm4b:s2+s5], $0x80, v3, vm0, $0xb8;
	[tilespmem:$0x1C200] =	vst v63  }
0xa9: {  	_ = 	snop  }
0xaa: {  	[tilespmem:s21], [sflag:$0x3] =	stream.indirect_vreg.gather [hbm4b:s7+s5], $0x80, v3, vm0, $0xb8;
	[tilespmem:$0x1C200] =	vst v63  }
0xab: {  	v3 =	vld [tilespmem:$0x110];
	_ =	sdelay $0x4  }
0xac: {  	v61 =	vshll.u32 v3, $0x2  }
0xad: {  	v3 =	vand.u32 $0x7, v3;
	v4 =	vand.u32 $0xFFFFFFE0, v61  }
0xae: {  	v3 =	vor.u32 v3, v4  }
0xaf: {  	v4 =	vperm.xlane v3, v0;
	_ =	sdelay $0x1  }
0xb0: {  	v4 =	vadd.s32 v1, v4;
	_ =	sdelay $0x1  }
0xb1: {  	v3 =	vperm.xlane v3, v2;
	_ =	sdelay $0x1  }
0xb2: {  	v3 =	vadd.s32 v1, v3  }
0xb3: {  	[tilespmem:s22], [sflag:$0x3] =	stream.indirect_vreg.gather [hbm4b:s2+s5], $0x80, v4, vm0, $0xb8;
	[tilespmem:$0x1C200] =	vst v63  }
0xb4: {  	_ = 	snop  }
0xb5: {  	[tilespmem:s23], [sflag:$0x3] =	stream.indirect_vreg.gather [hbm4b:s7+s5], $0x80, v4, vm0, $0xb8;
	[tilespmem:$0x1C200] =	vst v63  }
0xb6: {  	_ = 	snop  }
0xb7: {  	[tilespmem:s24], [sflag:$0x3] =	stream.indirect_vreg.gather [hbm4b:s2+s5], $0x80, v3, vm0, $0xb8;
	[tilespmem:$0x1C200] =	vst v63  }
0xb8: {  	_ = 	snop  }
0xb9: {  	[tilespmem:s25], [sflag:$0x3] =	stream.indirect_vreg.gather [hbm4b:s7+s5], $0x80, v3, vm0, $0xb8;
	[tilespmem:$0x1C200] =	vst v63  }
0xba: {  	v3 =	vld [tilespmem:$0x120];
	_ =	sdelay $0x4  }
0xbb: {  	v62 =	vshll.u32 v3, $0x2  }
0xbc: {  	v3 =	vand.u32 $0x7, v3;
	v4 =	vand.u32 $0xFFFFFFE0, v62  }
0xbd: {  	v3 =	vor.u32 v3, v4  }
0xbe: {  	v4 =	vperm.xlane v3, v0;
	_ =	sdelay $0x1  }
0xbf: {  	v4 =	vadd.s32 v1, v4;
	_ =	sdelay $0x1  }
0xc0: {  	v3 =	vperm.xlane v3, v2;
	_ =	sdelay $0x1  }
0xc1: {  	v3 =	vadd.s32 v1, v3  }
0xc2: {  	[tilespmem:s26], [sflag:$0x3] =	stream.indirect_vreg.gather [hbm4b:s2+s5], $0x80, v4, vm0, $0xb8;
	[tilespmem:$0x1C200] =	vst v63  }
0xc3: {  	_ = 	snop  }
0xc4: {  	[tilespmem:s28], [sflag:$0x3] =	stream.indirect_vreg.gather [hbm4b:s7+s5], $0x80, v4, vm0, $0xb8;
	[tilespmem:$0x1C200] =	vst v63  }
0xc5: {  	_ = 	snop  }
0xc6: {  	[tilespmem:s29], [sflag:$0x3] =	stream.indirect_vreg.gather [hbm4b:s2+s5], $0x80, v3, vm0, $0xb8;
	[tilespmem:$0x1C200] =	vst v63  }
0xc7: {  	_ = 	snop  }
0xc8: {  	[tilespmem:s30], [sflag:$0x3] =	stream.indirect_vreg.gather [hbm4b:s7+s5], $0x80, v3, vm0, $0xb8;
	[tilespmem:$0x1C200] =	vst v63  }
0xc9: {  	v3 =	vld [tilespmem:$0x130];
	_ =	sdelay $0x4  }
0xca: {  	v63 =	vshll.u32 v3, $0x2  }
0xcb: {  	v3 =	vand.u32 $0x7, v3;
	v4 =	vand.u32 $0xFFFFFFE0, v63  }
0xcc: {  	v3 =	vor.u32 v3, v4  }
0xcd: {  	v4 =	vperm.xlane v3, v0;
	_ =	sdelay $0x1  }
0xce: {  	v4 =	vadd.s32 v1, v4;
	_ =	sdelay $0x2  }
0xcf: {  	v3 =	vperm.xlane v3, v2;
	_ =	sdelay $0x1  }
0xd0: {  	v3 =	vadd.s32 v1, v3;
	[tilespmem:s31], [sflag:$0x3] =	stream.indirect_vreg.gather [hbm4b:s2+s5], $0x80, v4, vm0, $0xb8;
	[tilespmem:$0x1C200] =	vst v63  }
0xd1: {  	_ = 	snop  }
0xd2: {  	[tilespmem:s1], [sflag:$0x3] =	stream.indirect_vreg.gather [hbm4b:s7+s5], $0x80, v4, vm0, $0xb8;
	[tilespmem:$0x1C200] =	vst v63  }
.Ltmp2:
0xd3: {  	_ = 	snop;
	(pc) =	sbr.rel .LBB2_2-.Ltmp2, $4  }
0xd4: {  	s12 =	simm.s32 $0x2000;
	s13 =	simm.s32 $0x10  }
0xd5: {  	[tilespmem:s0], [sflag:$0x3] =	stream.indirect_vreg.gather [hbm4b:s2+s5], $0x80, v3, vm0, $0xb8;
	[tilespmem:$0x1C200] =	vst v63  }
0xd6: {  	s14 =	simm.s32 $0x0;
	s15 =	simm.s32 $0x5;
	s16 =	simm.s32 $0x0  }
0xd7: {  	[tilespmem:s6], [sflag:$0x3] =	stream.indirect_vreg.gather [hbm4b:s7+s5], $0x80, v3, vm0, $0xb8;
	[tilespmem:$0x1C200] =	vst v63  }
.LBB2_8:
0xd8: {  	p0 =	sne.s32 s17, $0x4200  }
.Ltmp3:
0xd9: {  	_ = 	snop;
	(pc) =	sbr.rel @!p0 .LBB2_9-.Ltmp3, $3  }
0xda: {  	_ =	sdelay $0x1  }
0xdb: {  	s15 =	sadd.s32 $0x3, s15;
	s12 =	sadd.s32 $0x3000, s12  }
0xdc: {  	s13 =	sadd.s32 $0x18, s13;
	s14 =	sadd.s32 $0x18000, s14;
	s16 =	smov.u32 s17  }
.LBB2_2:
0xdd: {  	s17 =	sadd.s32 $0xFFFFFFF0, s13  }
0xde: {  	s17 =	sand.u32 $0x7E0, s17  }
0xdf: {  	s17 =	sor.u32 s4, s17  }
0xe0: {  	p0 =	sgt.u32 s17, $0x400  }
0xe1: {  	s18 =	simm.s32 @!p0 $0x1;
	s17 =	sshll.u32 @!p0 s17, $0x11;
	s19 =	sand.u32 @!p0 $0x18000, s14  }
0xe2: {  	_ =	swait.ge @!p0 [sflag:s18], $0x8000;
	s17 =	sor.u32 @!p0 s19, s17  }
0xe3: {  	s19 =	simm.s32 @!p0 $0x4200;
	[sflag:s18] =	ssyncset.done @!p0 $0x0;
	s17 =	sshrl.u32 @!p0 s17, $0x3  }
0xe4: {  	[sflag:s18] =	ssyncadd.s32 @!p0 $0xFFFF8000;
	s17 =	sadd.s32 @!p0 s3, s17;
	s18 =	simm.s32 @!p0 $0x0  }
0xe5: {  	[hbm4b:s17+s18] =	stream.linear.scatter @!p0 [tilespmem:s19], [sflag:$0x4], $0x8000, $0x38;
	[tilespmem:$0x1C200] =	vst v63  }
0xe6: {  	s19 =	sadd.s32 $0xFFFFFFF8, s13  }
0xe7: {  	s17 =	sand.u32 $0xFE0, s19  }
0xe8: {  	s17 =	sor.u32 s4, s17  }
0xe9: {  	p0 =	sgt.u32 s17, $0x400  }
0xea: {  	s18 =	simm.s32 @!p0 $0x2  }
0xeb: {  	s19 =	sadd.s32 @!p0 $0xFFFFF000, s12;
	_ =	swait.ge @!p0 [sflag:s18], $0x8000  }
0xec: {  	s19 =	sand.u32 @!p0 $0x3000, s19;
	[sflag:s18] =	ssyncset.done @!p0 $0x0  }
0xed: {  	s17 =	sshll.u32 @!p0 s17, $0xE;
	[sflag:s18] =	ssyncadd.s32 @!p0 $0xFFFF8000;
	s18 =	sadd.s32 @!p0 s3, s19  }
0xee: {  	s19 =	simm.s32 @!p0 $0xC200;
	s17 =	sadd.s32 @!p0 s17, s18;
	s18 =	simm.s32 @!p0 $0x0  }
0xef: {  	[hbm4b:s17+s18] =	stream.linear.scatter @!p0 [tilespmem:s19], [sflag:$0x5], $0x8000, $0x38;
	[tilespmem:$0x1C200] =	vst v63  }
0xf0: {  	s18 =	sand.u32 $0xFE0, s13  }
0xf1: {  	s17 =	sor.u32 s4, s18  }
0xf2: {  	p0 =	sgt.u32 s17, $0x400  }
0xf3: {  	s18 =	simm.s32 @!p0 $0x3  }
0xf4: {  	_ =	swait.ge @!p0 [sflag:s18], $0x8000  }
0xf5: {  	s19 =	sand.u32 @!p0 $0x3000, s12;
	[sflag:s18] =	ssyncset.done @!p0 $0x0  }
0xf6: {  	s17 =	sshll.u32 @!p0 s17, $0xE;
	[sflag:s18] =	ssyncadd.s32 @!p0 $0xFFFF8000;
	s18 =	sadd.s32 @!p0 s3, s19  }
0xf7: {  	s19 =	simm.s32 @!p0 $0x14200;
	s17 =	sadd.s32 @!p0 s17, s18;
	s18 =	simm.s32 @!p0 $0x0  }
0xf8: {  	[hbm4b:s17+s18] =	stream.linear.scatter @!p0 [tilespmem:s19], [sflag:$0x6], $0x8000, $0x38;
	[tilespmem:$0x1C200] =	vst v63  }
0xf9: {  	s19 =	sadd.s32 $0xFFFFFFFE, s15  }
0xfa: {  	s18 =	sshrl.u32 s19, $0x2  }
0xfb: {  	p0 =	seq.s32 s16, $0x4080;
	s17 =	sshll.u32 s18, $0x5  }
0xfc: {  	p1 =	sge.u32 @!p0 s17, s8  }
0xfd: {  	p1 =	por p0, p1  }
.Ltmp4:
0xfe: {  	_ = 	snop;
	(pc) =	sbr.rel @p1 .LBB2_4-.Ltmp4, $2  }
0xff: {  	_ =	sdelay $0x2  }
0x100: {  	s17 =	sadd.s32 $0x180, s16  }
0x101: {  	_ =	swait.ge [sflag:s9], $0x8000;
	s19 =	sadd.s32 $0x180, s16;
	s18 =	sshll.u32 s18, $0x9  }
0x102: {  	[sflag:s9] =	ssyncset.done $0x0;
	s19 =	sand.u32 $0x180, s19;
	s18 =	sand.u32 $0x3FFFFE00, s18  }
0x103: {  	[sflag:s9] =	ssyncadd.s32 $0xFFFF8000;
	s18 =	sor.u32 s19, s18  }
0x104: {  	v3 =	vld [tilespmem:s18+$0x0];
	_ =	sdelay $0x4  }
0x105: {  	v4 =	vshll.u32 v3, $0x2  }
0x106: {  	v3 =	vand.u32 $0x7, v3;
	v4 =	vand.u32 $0xFFFFFFE0, v4  }
0x107: {  	v3 =	vor.u32 v3, v4  }
0x108: {  	v4 =	vperm.xlane v3, v0;
	_ =	sdelay $0x1  }
0x109: {  	v4 =	vadd.s32 v1, v4;
	_ =	sdelay $0x1  }
0x10a: {  	v3 =	vperm.xlane v3, v2;
	_ =	sdelay $0x1  }
0x10b: {  	s19 =	simm.s32 $0x4200;
	v3 =	vadd.s32 v1, v3  }
0x10c: {  	[tilespmem:s19], [sflag:$0x1] =	stream.indirect_vreg.gather [hbm4b:s2+s5], $0x80, v4, vm0, $0xb8;
	[tilespmem:$0x1C200] =	vst v63  }
0x10d: {  	s19 =	simm.s32 $0x4A00  }
0x10e: {  	[tilespmem:s19], [sflag:$0x1] =	stream.indirect_vreg.gather [hbm4b:s7+s5], $0x80, v4, vm0, $0xb8;
	[tilespmem:$0x1C200] =	vst v63  }
0x10f: {  	s19 =	simm.s32 $0x5200  }
0x110: {  	[tilespmem:s19], [sflag:$0x1] =	stream.indirect_vreg.gather [hbm4b:s2+s5], $0x80, v3, vm0, $0xb8;
	[tilespmem:$0x1C200] =	vst v63  }
0x111: {  	s19 =	simm.s32 $0x5A00  }
0x112: {  	[tilespmem:s19], [sflag:$0x1] =	stream.indirect_vreg.gather [hbm4b:s7+s5], $0x80, v3, vm0, $0xb8;
	[tilespmem:$0x1C200] =	vst v63  }
0x113: {  	v3 =	vld [tilespmem:s18+$0x10];
	_ =	sdelay $0x4  }
0x114: {  	v61 =	vshll.u32 v3, $0x2  }
0x115: {  	v3 =	vand.u32 $0x7, v3;
	v4 =	vand.u32 $0xFFFFFFE0, v61  }
0x116: {  	v3 =	vor.u32 v3, v4  }
0x117: {  	v4 =	vperm.xlane v3, v0;
	_ =	sdelay $0x1  }
0x118: {  	v4 =	vadd.s32 v1, v4;
	_ =	sdelay $0x1  }
0x119: {  	v3 =	vperm.xlane v3, v2;
	_ =	sdelay $0x1  }
0x11a: {  	s19 =	simm.s32 $0x6200;
	v3 =	vadd.s32 v1, v3  }
0x11b: {  	[tilespmem:s19], [sflag:$0x1] =	stream.indirect_vreg.gather [hbm4b:s2+s5], $0x80, v4, vm0, $0xb8;
	[tilespmem:$0x1C200] =	vst v63  }
0x11c: {  	s19 =	simm.s32 $0x6A00  }
0x11d: {  	[tilespmem:s19], [sflag:$0x1] =	stream.indirect_vreg.gather [hbm4b:s7+s5], $0x80, v4, vm0, $0xb8;
	[tilespmem:$0x1C200] =	vst v63  }
0x11e: {  	s19 =	simm.s32 $0x7200  }
0x11f: {  	[tilespmem:s19], [sflag:$0x1] =	stream.indirect_vreg.gather [hbm4b:s2+s5], $0x80, v3, vm0, $0xb8;
	[tilespmem:$0x1C200] =	vst v63  }
0x120: {  	s19 =	simm.s32 $0x7A00  }
0x121: {  	[tilespmem:s19], [sflag:$0x1] =	stream.indirect_vreg.gather [hbm4b:s7+s5], $0x80, v3, vm0, $0xb8;
	[tilespmem:$0x1C200] =	vst v63  }
0x122: {  	v3 =	vld [tilespmem:s18+$0x20];
	_ =	sdelay $0x4  }
0x123: {  	v62 =	vshll.u32 v3, $0x2  }
0x124: {  	v3 =	vand.u32 $0x7, v3;
	v4 =	vand.u32 $0xFFFFFFE0, v62  }
0x125: {  	v3 =	vor.u32 v3, v4  }
0x126: {  	v4 =	vperm.xlane v3, v0;
	_ =	sdelay $0x1  }
0x127: {  	v4 =	vadd.s32 v1, v4;
	_ =	sdelay $0x1  }
0x128: {  	v3 =	vperm.xlane v3, v2;
	_ =	sdelay $0x1  }
0x129: {  	s19 =	simm.s32 $0x8200;
	v3 =	vadd.s32 v1, v3  }
0x12a: {  	[tilespmem:s19], [sflag:$0x1] =	stream.indirect_vreg.gather [hbm4b:s2+s5], $0x80, v4, vm0, $0xb8;
	[tilespmem:$0x1C200] =	vst v63  }
0x12b: {  	s19 =	simm.s32 $0x8A00  }
0x12c: {  	[tilespmem:s19], [sflag:$0x1] =	stream.indirect_vreg.gather [hbm4b:s7+s5], $0x80, v4, vm0, $0xb8;
	[tilespmem:$0x1C200] =	vst v63  }
0x12d: {  	s19 =	simm.s32 $0x9200  }
0x12e: {  	[tilespmem:s19], [sflag:$0x1] =	stream.indirect_vreg.gather [hbm4b:s2+s5], $0x80, v3, vm0, $0xb8;
	[tilespmem:$0x1C200] =	vst v63  }
0x12f: {  	s19 =	simm.s32 $0x9A00  }
0x130: {  	[tilespmem:s19], [sflag:$0x1] =	stream.indirect_vreg.gather [hbm4b:s7+s5], $0x80, v3, vm0, $0xb8;
	[tilespmem:$0x1C200] =	vst v63  }
0x131: {  	v3 =	vld [tilespmem:s18+$0x30];
	_ =	sdelay $0x4  }
0x132: {  	v63 =	vshll.u32 v3, $0x2  }
0x133: {  	v3 =	vand.u32 $0x7, v3;
	v4 =	vand.u32 $0xFFFFFFE0, v63  }
0x134: {  	v3 =	vor.u32 v3, v4  }
0x135: {  	v4 =	vperm.xlane v3, v0;
	_ =	sdelay $0x1  }
0x136: {  	v4 =	vadd.s32 v1, v4;
	_ =	sdelay $0x1  }
0x137: {  	v3 =	vperm.xlane v3, v2;
	_ =	sdelay $0x1  }
0x138: {  	s19 =	simm.s32 $0xA200;
	v3 =	vadd.s32 v1, v3  }
0x139: {  	[tilespmem:s19], [sflag:$0x1] =	stream.indirect_vreg.gather [hbm4b:s2+s5], $0x80, v4, vm0, $0xb8;
	[tilespmem:$0x1C200] =	vst v63  }
0x13a: {  	s19 =	simm.s32 $0xAA00  }
0x13b: {  	[tilespmem:s19], [sflag:$0x1] =	stream.indirect_vreg.gather [hbm4b:s7+s5], $0x80, v4, vm0, $0xb8;
	[tilespmem:$0x1C200] =	vst v63  }
0x13c: {  	s19 =	simm.s32 $0xB200  }
0x13d: {  	[tilespmem:s19], [sflag:$0x1] =	stream.indirect_vreg.gather [hbm4b:s2+s5], $0x80, v3, vm0, $0xb8;
	[tilespmem:$0x1C200] =	vst v63  }
0x13e: {  	s19 =	simm.s32 $0xBA00  }
0x13f: {  	[tilespmem:s19], [sflag:$0x1] =	stream.indirect_vreg.gather [hbm4b:s7+s5], $0x80, v3, vm0, $0xb8;
	[tilespmem:$0x1C200] =	vst v63  }
.LBB2_4:
0x140: {  	s18 =	sadd.s32 $0xFFFFFFFF, s15  }
0x141: {  	s18 =	sshrl.u32 s18, $0x2  }
0x142: {  	s19 =	sshll.u32 s18, $0x5  }
0x143: {  	p1 =	sge.u32 @!p0 s19, s8  }
0x144: {  	p1 =	por p0, p1  }
.Ltmp5:
0x145: {  	_ = 	snop;
	(pc) =	sbr.rel @p1 .LBB2_6-.Ltmp5, $1  }
0x146: {  	_ =	sdelay $0x3  }
0x147: {  	_ =	swait.ge [sflag:s10], $0x8000;
	s18 =	sshll.u32 s18, $0x9  }
0x148: {  	s19 =	sand.u32 $0x180, s16;
	[sflag:s10] =	ssyncset.done $0x0;
	s18 =	sand.u32 $0x3FFFFE00, s18  }
0x149: {  	[sflag:s10] =	ssyncadd.s32 $0xFFFF8000;
	s18 =	sor.u32 s19, s18  }
0x14a: {  	v3 =	vld [tilespmem:s18+$0x0];
	_ =	sdelay $0x4  }
0x14b: {  	v4 =	vshll.u32 v3, $0x2  }
0x14c: {  	v3 =	vand.u32 $0x7, v3;
	v4 =	vand.u32 $0xFFFFFFE0, v4  }
0x14d: {  	v3 =	vor.u32 v3, v4  }
0x14e: {  	v4 =	vperm.xlane v3, v0;
	_ =	sdelay $0x1  }
0x14f: {  	v4 =	vadd.s32 v1, v4;
	_ =	sdelay $0x1  }
0x150: {  	v3 =	vperm.xlane v3, v2;
	_ =	sdelay $0x1  }
0x151: {  	s19 =	simm.s32 $0xC200;
	v3 =	vadd.s32 v1, v3  }
0x152: {  	[tilespmem:s19], [sflag:$0x2] =	stream.indirect_vreg.gather [hbm4b:s2+s5], $0x80, v4, vm0, $0xb8;
	[tilespmem:$0x1C200] =	vst v63  }
0x153: {  	s19 =	simm.s32 $0xCA00  }
0x154: {  	[tilespmem:s19], [sflag:$0x2] =	stream.indirect_vreg.gather [hbm4b:s7+s5], $0x80, v4, vm0, $0xb8;
	[tilespmem:$0x1C200] =	vst v63  }
0x155: {  	s19 =	simm.s32 $0xD200  }
0x156: {  	[tilespmem:s19], [sflag:$0x2] =	stream.indirect_vreg.gather [hbm4b:s2+s5], $0x80, v3, vm0, $0xb8;
	[tilespmem:$0x1C200] =	vst v63  }
0x157: {  	s19 =	simm.s32 $0xDA00  }
0x158: {  	[tilespmem:s19], [sflag:$0x2] =	stream.indirect_vreg.gather [hbm4b:s7+s5], $0x80, v3, vm0, $0xb8;
	[tilespmem:$0x1C200] =	vst v63  }
0x159: {  	v3 =	vld [tilespmem:s18+$0x10];
	_ =	sdelay $0x4  }
0x15a: {  	v61 =	vshll.u32 v3, $0x2  }
0x15b: {  	v3 =	vand.u32 $0x7, v3;
	v4 =	vand.u32 $0xFFFFFFE0, v61  }
0x15c: {  	v3 =	vor.u32 v3, v4  }
0x15d: {  	v4 =	vperm.xlane v3, v0;
	_ =	sdelay $0x1  }
0x15e: {  	v4 =	vadd.s32 v1, v4;
	_ =	sdelay $0x1  }
0x15f: {  	v3 =	vperm.xlane v3, v2;
	_ =	sdelay $0x1  }
0x160: {  	s19 =	simm.s32 $0xE200;
	v3 =	vadd.s32 v1, v3  }
0x161: {  	[tilespmem:s19], [sflag:$0x2] =	stream.indirect_vreg.gather [hbm4b:s2+s5], $0x80, v4, vm0, $0xb8;
	[tilespmem:$0x1C200] =	vst v63  }
0x162: {  	s19 =	simm.s32 $0xEA00  }
0x163: {  	[tilespmem:s19], [sflag:$0x2] =	stream.indirect_vreg.gather [hbm4b:s7+s5], $0x80, v4, vm0, $0xb8;
	[tilespmem:$0x1C200] =	vst v63  }
0x164: {  	s19 =	simm.s32 $0xF200  }
0x165: {  	[tilespmem:s19], [sflag:$0x2] =	stream.indirect_vreg.gather [hbm4b:s2+s5], $0x80, v3, vm0, $0xb8;
	[tilespmem:$0x1C200] =	vst v63  }
0x166: {  	s19 =	simm.s32 $0xFA00  }
0x167: {  	[tilespmem:s19], [sflag:$0x2] =	stream.indirect_vreg.gather [hbm4b:s7+s5], $0x80, v3, vm0, $0xb8;
	[tilespmem:$0x1C200] =	vst v63  }
0x168: {  	v3 =	vld [tilespmem:s18+$0x20];
	_ =	sdelay $0x4  }
0x169: {  	v62 =	vshll.u32 v3, $0x2  }
0x16a: {  	v3 =	vand.u32 $0x7, v3;
	v4 =	vand.u32 $0xFFFFFFE0, v62  }
0x16b: {  	v3 =	vor.u32 v3, v4  }
0x16c: {  	v4 =	vperm.xlane v3, v0;
	_ =	sdelay $0x1  }
0x16d: {  	v4 =	vadd.s32 v1, v4;
	_ =	sdelay $0x1  }
0x16e: {  	v3 =	vperm.xlane v3, v2;
	_ =	sdelay $0x1  }
0x16f: {  	s19 =	simm.s32 $0x10200;
	v3 =	vadd.s32 v1, v3  }
0x170: {  	[tilespmem:s19], [sflag:$0x2] =	stream.indirect_vreg.gather [hbm4b:s2+s5], $0x80, v4, vm0, $0xb8;
	[tilespmem:$0x1C200] =	vst v63  }
0x171: {  	s19 =	simm.s32 $0x10A00  }
0x172: {  	[tilespmem:s19], [sflag:$0x2] =	stream.indirect_vreg.gather [hbm4b:s7+s5], $0x80, v4, vm0, $0xb8;
	[tilespmem:$0x1C200] =	vst v63  }
0x173: {  	s19 =	simm.s32 $0x11200  }
0x174: {  	[tilespmem:s19], [sflag:$0x2] =	stream.indirect_vreg.gather [hbm4b:s2+s5], $0x80, v3, vm0, $0xb8;
	[tilespmem:$0x1C200] =	vst v63  }
0x175: {  	s19 =	simm.s32 $0x11A00  }
0x176: {  	[tilespmem:s19], [sflag:$0x2] =	stream.indirect_vreg.gather [hbm4b:s7+s5], $0x80, v3, vm0, $0xb8;
	[tilespmem:$0x1C200] =	vst v63  }
0x177: {  	v3 =	vld [tilespmem:s18+$0x30];
	_ =	sdelay $0x4  }
0x178: {  	v63 =	vshll.u32 v3, $0x2  }
0x179: {  	v3 =	vand.u32 $0x7, v3;
	v4 =	vand.u32 $0xFFFFFFE0, v63  }
0x17a: {  	v3 =	vor.u32 v3, v4  }
0x17b: {  	v4 =	vperm.xlane v3, v0;
	_ =	sdelay $0x1  }
0x17c: {  	v4 =	vadd.s32 v1, v4;
	_ =	sdelay $0x1  }
0x17d: {  	v3 =	vperm.xlane v3, v2;
	_ =	sdelay $0x1  }
0x17e: {  	s19 =	simm.s32 $0x12200;
	v3 =	vadd.s32 v1, v3  }
0x17f: {  	[tilespmem:s19], [sflag:$0x2] =	stream.indirect_vreg.gather [hbm4b:s2+s5], $0x80, v4, vm0, $0xb8;
	[tilespmem:$0x1C200] =	vst v63  }
0x180: {  	s19 =	simm.s32 $0x12A00  }
0x181: {  	[tilespmem:s19], [sflag:$0x2] =	stream.indirect_vreg.gather [hbm4b:s7+s5], $0x80, v4, vm0, $0xb8;
	[tilespmem:$0x1C200] =	vst v63  }
0x182: {  	s19 =	simm.s32 $0x13200  }
0x183: {  	[tilespmem:s19], [sflag:$0x2] =	stream.indirect_vreg.gather [hbm4b:s2+s5], $0x80, v3, vm0, $0xb8;
	[tilespmem:$0x1C200] =	vst v63  }
0x184: {  	s19 =	simm.s32 $0x13A00  }
0x185: {  	[tilespmem:s19], [sflag:$0x2] =	stream.indirect_vreg.gather [hbm4b:s7+s5], $0x80, v3, vm0, $0xb8;
	[tilespmem:$0x1C200] =	vst v63  }
.LBB2_6:
0x186: {  	s18 =	sshrl.u32 s15, $0x2  }
0x187: {  	s19 =	sshll.u32 s18, $0x5  }
0x188: {  	p1 =	sge.u32 @!p0 s19, s8  }
0x189: {  	p0 =	por p0, p1  }
.Ltmp6:
0x18a: {  	_ = 	snop;
	(pc) =	sbr.rel @p0 .LBB2_8-.Ltmp6, $1  }
0x18b: {  	_ =	sdelay $0x3  }
0x18c: {  	_ =	swait.ge [sflag:s11], $0x8000;
	s16 =	sadd.s32 $0x280, s16;
	s18 =	sshll.u32 s18, $0x9  }
0x18d: {  	[sflag:s11] =	ssyncset.done $0x0;
	s16 =	sand.u32 $0x180, s16;
	s18 =	sand.u32 $0x3FFFFE00, s18  }
0x18e: {  	[sflag:s11] =	ssyncadd.s32 $0xFFFF8000;
	s16 =	sor.u32 s16, s18  }
0x18f: {  	v3 =	vld [tilespmem:s16+$0x0];
	_ =	sdelay $0x4  }
0x190: {  	v4 =	vshll.u32 v3, $0x2  }
0x191: {  	v3 =	vand.u32 $0x7, v3;
	v4 =	vand.u32 $0xFFFFFFE0, v4  }
0x192: {  	v3 =	vor.u32 v3, v4  }
0x193: {  	v4 =	vperm.xlane v3, v0;
	_ =	sdelay $0x1  }
0x194: {  	v4 =	vadd.s32 v1, v4;
	_ =	sdelay $0x1  }
0x195: {  	v3 =	vperm.xlane v3, v2;
	_ =	sdelay $0x1  }
0x196: {  	s19 =	simm.s32 $0x14200;
	v3 =	vadd.s32 v1, v3  }
0x197: {  	[tilespmem:s19], [sflag:$0x3] =	stream.indirect_vreg.gather [hbm4b:s2+s5], $0x80, v4, vm0, $0xb8;
	[tilespmem:$0x1C200] =	vst v63  }
0x198: {  	s19 =	simm.s32 $0x14A00  }
0x199: {  	[tilespmem:s19], [sflag:$0x3] =	stream.indirect_vreg.gather [hbm4b:s7+s5], $0x80, v4, vm0, $0xb8;
	[tilespmem:$0x1C200] =	vst v63  }
0x19a: {  	_ = 	snop  }
0x19b: {  	[tilespmem:s20], [sflag:$0x3] =	stream.indirect_vreg.gather [hbm4b:s2+s5], $0x80, v3, vm0, $0xb8;
	[tilespmem:$0x1C200] =	vst v63  }
0x19c: {  	_ = 	snop  }
0x19d: {  	[tilespmem:s21], [sflag:$0x3] =	stream.indirect_vreg.gather [hbm4b:s7+s5], $0x80, v3, vm0, $0xb8;
	[tilespmem:$0x1C200] =	vst v63  }
0x19e: {  	v3 =	vld [tilespmem:s16+$0x10];
	_ =	sdelay $0x4  }
0x19f: {  	v61 =	vshll.u32 v3, $0x2  }
0x1a0: {  	v3 =	vand.u32 $0x7, v3;
	v4 =	vand.u32 $0xFFFFFFE0, v61  }
0x1a1: {  	v3 =	vor.u32 v3, v4  }
0x1a2: {  	v4 =	vperm.xlane v3, v0;
	_ =	sdelay $0x1  }
0x1a3: {  	v4 =	vadd.s32 v1, v4;
	_ =	sdelay $0x1  }
0x1a4: {  	v3 =	vperm.xlane v3, v2;
	_ =	sdelay $0x1  }
0x1a5: {  	v3 =	vadd.s32 v1, v3  }
0x1a6: {  	[tilespmem:s22], [sflag:$0x3] =	stream.indirect_vreg.gather [hbm4b:s2+s5], $0x80, v4, vm0, $0xb8;
	[tilespmem:$0x1C200] =	vst v63  }
0x1a7: {  	_ = 	snop  }
0x1a8: {  	[tilespmem:s23], [sflag:$0x3] =	stream.indirect_vreg.gather [hbm4b:s7+s5], $0x80, v4, vm0, $0xb8;
	[tilespmem:$0x1C200] =	vst v63  }
0x1a9: {  	_ = 	snop  }
0x1aa: {  	[tilespmem:s24], [sflag:$0x3] =	stream.indirect_vreg.gather [hbm4b:s2+s5], $0x80, v3, vm0, $0xb8;
	[tilespmem:$0x1C200] =	vst v63  }
0x1ab: {  	_ = 	snop  }
0x1ac: {  	[tilespmem:s25], [sflag:$0x3] =	stream.indirect_vreg.gather [hbm4b:s7+s5], $0x80, v3, vm0, $0xb8;
	[tilespmem:$0x1C200] =	vst v63  }
0x1ad: {  	v3 =	vld [tilespmem:s16+$0x20];
	_ =	sdelay $0x4  }
0x1ae: {  	v62 =	vshll.u32 v3, $0x2  }
0x1af: {  	v3 =	vand.u32 $0x7, v3;
	v4 =	vand.u32 $0xFFFFFFE0, v62  }
0x1b0: {  	v3 =	vor.u32 v3, v4  }
0x1b1: {  	v4 =	vperm.xlane v3, v0;
	_ =	sdelay $0x1  }
0x1b2: {  	v4 =	vadd.s32 v1, v4;
	_ =	sdelay $0x1  }
0x1b3: {  	v3 =	vperm.xlane v3, v2;
	_ =	sdelay $0x1  }
0x1b4: {  	v3 =	vadd.s32 v1, v3  }
0x1b5: {  	[tilespmem:s26], [sflag:$0x3] =	stream.indirect_vreg.gather [hbm4b:s2+s5], $0x80, v4, vm0, $0xb8;
	[tilespmem:$0x1C200] =	vst v63  }
0x1b6: {  	_ = 	snop  }
0x1b7: {  	[tilespmem:s28], [sflag:$0x3] =	stream.indirect_vreg.gather [hbm4b:s7+s5], $0x80, v4, vm0, $0xb8;
	[tilespmem:$0x1C200] =	vst v63  }
0x1b8: {  	_ = 	snop  }
0x1b9: {  	[tilespmem:s29], [sflag:$0x3] =	stream.indirect_vreg.gather [hbm4b:s2+s5], $0x80, v3, vm0, $0xb8;
	[tilespmem:$0x1C200] =	vst v63  }
0x1ba: {  	_ = 	snop  }
0x1bb: {  	[tilespmem:s30], [sflag:$0x3] =	stream.indirect_vreg.gather [hbm4b:s7+s5], $0x80, v3, vm0, $0xb8;
	[tilespmem:$0x1C200] =	vst v63  }
0x1bc: {  	v3 =	vld [tilespmem:s16+$0x30];
	_ =	sdelay $0x4  }
0x1bd: {  	v63 =	vshll.u32 v3, $0x2  }
0x1be: {  	v3 =	vand.u32 $0x7, v3;
	v4 =	vand.u32 $0xFFFFFFE0, v63  }
0x1bf: {  	v3 =	vor.u32 v3, v4  }
0x1c0: {  	v4 =	vperm.xlane v3, v0;
	_ =	sdelay $0x1  }
0x1c1: {  	v4 =	vadd.s32 v1, v4;
	_ =	sdelay $0x2  }
0x1c2: {  	v3 =	vperm.xlane v3, v2;
	_ =	sdelay $0x1  }
0x1c3: {  	v3 =	vadd.s32 v1, v3;
	[tilespmem:s31], [sflag:$0x3] =	stream.indirect_vreg.gather [hbm4b:s2+s5], $0x80, v4, vm0, $0xb8;
	[tilespmem:$0x1C200] =	vst v63  }
0x1c4: {  	_ = 	snop  }
0x1c5: {  	[tilespmem:s1], [sflag:$0x3] =	stream.indirect_vreg.gather [hbm4b:s7+s5], $0x80, v4, vm0, $0xb8;
	[tilespmem:$0x1C200] =	vst v63  }
.Ltmp7:
0x1c6: {  	_ = 	snop;
	(pc) =	sbr.rel .LBB2_8-.Ltmp7, $4  }
0x1c7: {  	_ = 	snop  }
0x1c8: {  	[tilespmem:s0], [sflag:$0x3] =	stream.indirect_vreg.gather [hbm4b:s2+s5], $0x80, v3, vm0, $0xb8;
	[tilespmem:$0x1C200] =	vst v63  }
0x1c9: {  	_ = 	snop  }
0x1ca: {  	[tilespmem:s6], [sflag:$0x3] =	stream.indirect_vreg.gather [hbm4b:s7+s5], $0x80, v3, vm0, $0xb8;
	[tilespmem:$0x1C200] =	vst v63  }
.LBB2_10:
0x1cb: {  	_ =	sfence.sel $0x180000  }
0x1cc: {  	[bflag:$0x0] =	sbarrier.arrive $0xFFFF  }
0x1cd: {  	_ =	strace $0x90000047  }
0x1ce: {  	s0 =	stileid.u32;
	[bflag:$0x2] =	sbarrier.arrive $0xFFFF  }
0x1cf: {  	p0 =	sne.s32 s0, $0x0;
	s0 =	rddreg [dreg:$0x3]  }
0x1d0: {  	s0 =	sadd.s32 @!p0 $0x100000, s0  }
0x1d1: {  	[sflag:s0] =	ssyncadd.tile.s32 @!p0 $0x1;
	_ =	shalt  }
.Lfunc_end2:
_tile_overlayer_lowered:
.L_overlay_start_2:
0x1d2: {  	(tag) =	ssettag $0x2  }
0x1d3: {  	s0 =	rddreg [dreg:$0x0];
	s2 =	stileid.u32  }
0x1d4: {  	s1 =	rddreg [dreg:$0x1];
	p0 =	sne.s32 s2, $0x0  }
0x1d5: {  	s3 =	rddreg [dreg:$0x2];
	[bflag:$0x3] =	sbarrier.arrive $0xFFFF;
	s2 =	simm.s32 @!p0 $0x1C07  }
0x1d6: {  	[timem:s3], [sflag:s2] =	dma.local @!p0 [hbm:s0], s1  }
0x1d7: {  	s0 =	simm.s32 @!p0 $0x7  }
0x1d8: {  	_ =	swait.ge @!p0 [sflag:s0], s1  }
0x1d9: {  	s1 =	ssub.s32 @!p0 $0x0, s1;
	[sflag:s0] =	ssyncset.done @!p0 $0x0  }
0x1da: {  	[sflag:s0] =	ssyncadd.s32 @!p0 s1  }
0x1db: {  	[bflag:$0x3] =	sbarrier.arrive $0xFFFF  }
0x1dc: {  	_ =	shalt  }

</sc_bundles>
